<compile_context>
chip_gen: v7x
topology: tpu7x:2x2x1
jax: 0.10.2.dev20260603
libtpu: 0.0.44.dev20260713+nightly
codegen_flags: <defaults>
</compile_context>

<pallas_src>
import functools

import jax
import jax.numpy as jnp
from jax import lax
from jax.experimental import pallas as pl
from jax.experimental.pallas import tpu as pltpu
from jax.experimental.pallas import tpu_sc as plsc

NE = 10000
NU = 2048
NF = 4
NR = 16
C = 128
E = 320000

NC = 2
NS = 16
NW = NC * NS
EW = E // NW
K = 80
NCH = EW // K
RPT = 624
RTAIL = NE - NS * RPT


def _sc_kg_body(ent_hbm, idx3_hbm, w_hbm,
                sums_out, cnt_out,
                sums_sh, cnt_sh, w_sh, idxb0, idxb1, rows0, rows1, wrel,
                ones_v, zc, sem0, sem1):
    cid = lax.axis_index("c")
    sid = lax.axis_index("s")
    wid = sid * NC + cid
    z16 = jnp.zeros((16,), jnp.float32)
    one16 = jnp.full((16,), 1.0, jnp.float32)
    for j in range(K // 16):
        ones_v[pl.ds(j * 16, 16)] = one16

    def _zc(i, c2):
        zc[pl.ds(i * 16, 16)] = z16
        return c2

    lax.fori_loop(0, RPT // 16, _zc, 0)

    @pl.when(sid == 0)
    def _():
        pltpu.sync_copy(w_hbm, rows0.at[pl.ds(0, NR)])
        pltpu.sync_copy(rows0.at[pl.ds(0, NR)], w_sh)

    def _zr(r, c2):
        for c in range(C // 16):
            rows0[r, pl.ds(c * 16, 16)] = z16
        return c2

    lax.fori_loop(0, K, _zr, 0)
    off = pl.multiple_of(sid * RPT, 8)
    for j in range(7):
        pltpu.sync_copy(rows0, sums_sh.at[pl.ds(off + j * K, K)])
    pltpu.sync_copy(rows0.at[pl.ds(0, RPT - 7 * K)],
                    sums_sh.at[pl.ds(off + 7 * K, RPT - 7 * K)])
    pltpu.sync_copy(zc, cnt_sh.at[pl.ds(off, RPT)])

    @pl.when(sid == 0)
    def _():
        pltpu.sync_copy(rows0.at[pl.ds(0, RTAIL)],
                        sums_sh.at[pl.ds(NS * RPT, RTAIL)])
        pltpu.sync_copy(zc.at[pl.ds(0, RTAIL)],
                        cnt_sh.at[pl.ds(NS * RPT, RTAIL)])

    plsc.subcore_barrier()

    idxb = (idxb0, idxb1)
    rowsb = (rows0, rows1)
    semb = (sem0, sem1)
    cbase = wid * NCH

    def _process(j, b):
        pltpu.make_async_copy(ent_hbm.at[idxb[b].at[1]], rowsb[b],
                              semb[b]).wait()
        pltpu.sync_copy(w_sh.at[idxb[b].at[2]], wrel)
        rows = rowsb[b]

        def _edge(e, c2):
            for c in range(C // 16):
                sl = pl.ds(c * 16, 16)
                rows[e, sl] = rows[e, sl] * wrel[e, sl]
            return c2

        lax.fori_loop(0, K, _edge, 0)
        pltpu.sync_copy(rows, sums_sh.at[idxb[b].at[0]], add=True)
        pltpu.sync_copy(ones_v, cnt_sh.at[idxb[b].at[0]], add=True)

    pltpu.sync_copy(idx3_hbm.at[cbase], idxb0)
    pltpu.async_copy(ent_hbm.at[idxb0.at[1]], rows0, sem0)

    def _chunk2(jo, carry):
        j = jo * 2
        for b in range(2):
            nb = 1 - b
            pltpu.sync_copy(idx3_hbm.at[cbase + j + 1], idxb[nb])
            pltpu.async_copy(ent_hbm.at[idxb[nb].at[1]], rowsb[nb], semb[nb])
            _process(j, b)
            j = j + 1
        return carry

    lax.fori_loop(0, (NCH - 1) // 2, _chunk2, 0)
    _process(NCH - 1, 0)

    plsc.subcore_barrier()
    pltpu.sync_copy(sums_sh.at[pl.ds(off, RPT)],
                    sums_out.at[cid, pl.ds(off, RPT)])
    cobase = pl.multiple_of(cid * NE + sid * RPT, 8)
    pltpu.sync_copy(cnt_sh.at[pl.ds(off, RPT)], zc)
    pltpu.sync_copy(zc, cnt_out.at[pl.ds(cobase, RPT)])

    @pl.when(sid == 0)
    def _():
        pltpu.sync_copy(sums_sh.at[pl.ds(NS * RPT, RTAIL)],
                        sums_out.at[cid, pl.ds(NS * RPT, RTAIL)])
        pltpu.sync_copy(cnt_sh.at[pl.ds(NS * RPT, RTAIL)], zc.at[pl.ds(0, RTAIL)])
        pltpu.sync_copy(zc.at[pl.ds(0, RTAIL)],
                        cnt_out.at[pl.ds(cid * NE + NS * RPT, RTAIL)])


_sc_kg = functools.partial(
    pl.kernel,
    out_type=(
        jax.ShapeDtypeStruct((NC, NE, C), jnp.float32),
        jax.ShapeDtypeStruct((NC * NE,), jnp.float32),
    ),
    mesh=plsc.VectorSubcoreMesh(core_axis_name="c", subcore_axis_name="s"),
    scratch_types=[
        pltpu.VMEM_SHARED((NE, C), jnp.float32),
        pltpu.VMEM_SHARED((NE,), jnp.float32),
        pltpu.VMEM_SHARED((NR, C), jnp.float32),
        pltpu.VMEM((3, K), jnp.int32),
        pltpu.VMEM((3, K), jnp.int32),
        pltpu.VMEM((K, C), jnp.float32),
        pltpu.VMEM((K, C), jnp.float32),
        pltpu.VMEM((K, C), jnp.float32),
        pltpu.VMEM((K,), jnp.float32),
        pltpu.VMEM((RPT,), jnp.float32),
        pltpu.SemaphoreType.DMA,
        pltpu.SemaphoreType.DMA,
    ],
)(_sc_kg_body)


def _fin_body(sums_ref, cnt_ref, out_ref):
    s = sums_ref[0] + sums_ref[1]
    c = jnp.sum(cnt_ref[...], axis=0)
    cc = jnp.reshape(c, (NE, 1))
    out_ref[...] = s / jnp.maximum(cc, 1.0)


def _user_body(um_ref, lat_ref, im_ref, ent_ref, w_ref, dis_ref, out_ref):
    s = lax.dot_general(um_ref[...], lat_ref[...], (((1,), (1,)), ((), ())),
                        preferred_element_type=jnp.float32)
    s = s - jnp.max(s, axis=1, keepdims=True)
    es = jnp.exp(s)
    p = es / jnp.sum(es, axis=1, keepdims=True)

    d = dis_ref[...]
    d = d - jnp.max(d, axis=1, keepdims=True)
    ed = jnp.exp(d)
    dsm = ed / jnp.sum(ed, axis=1, keepdims=True)
    dw = lax.dot_general(dsm, w_ref[...], (((1,), (0,)), ((), ())),
                         preferred_element_type=jnp.float32)
    coeff = lax.dot_general(p, dw, (((1,), (0,)), ((), ())),
                            preferred_element_type=jnp.float32)
    agg = lax.dot_general(im_ref[...], ent_ref[...], (((1,), (0,)), ((), ())),
                          preferred_element_type=jnp.float32)
    out_ref[...] = agg * (coeff + 1.0)


BU = 256


def kernel(entity_emb, user_emb, latent_emb, edge_index, edge_type,
           interact_mat, weight, disen_weight_att):
    relm = (edge_type.astype(jnp.int32) - 1) % NR
    idx3 = jnp.stack([edge_index[0], edge_index[1], relm], 0)
    idx3 = idx3.reshape(3, E // K, K).transpose(1, 0, 2)

    sums, cnts = _sc_kg(entity_emb, idx3, weight)
    cnts = cnts.reshape(NC, NE)

    entity_agg = pl.pallas_call(
        _fin_body,
        in_specs=[
            pl.BlockSpec((NC, NE, C), lambda: (0, 0, 0)),
            pl.BlockSpec((NC, NE), lambda: (0, 0)),
        ],
        out_specs=pl.BlockSpec((NE, C), lambda: (0, 0)),
        out_shape=jax.ShapeDtypeStruct((NE, C), jnp.float32),
    )(sums, cnts)

    user_agg = pl.pallas_call(
        _user_body,
        grid=(NU // BU,),
        in_specs=[
            pl.BlockSpec((BU, C), lambda i: (i, 0)),
            pl.BlockSpec((NF, C), lambda i: (0, 0)),
            pl.BlockSpec((BU, NE), lambda i: (i, 0)),
            pl.BlockSpec((NE, C), lambda i: (0, 0)),
            pl.BlockSpec((NR, C), lambda i: (0, 0)),
            pl.BlockSpec((NF, NR), lambda i: (0, 0)),
        ],
        out_specs=pl.BlockSpec((BU, C), lambda i: (i, 0)),
        out_shape=jax.ShapeDtypeStruct((NU, C), jnp.float32),
    )(user_emb, latent_emb, interact_mat, entity_emb, weight, disen_weight_att)

    return (entity_agg, user_agg)

# --- scband reference (transcript-rebuilt; emitter-appended) ---
"""Pipeline reference for scband-aggregator-55018531062593 (READ-ONLY COPY).

The authoritative reference and input builder live on the scoring server;
editing this copy changes nothing except your own understanding.
"""

import jax, jax.numpy as jnp
import numpy as np

N_ENTITIES = 10000
N_USERS = 2048
N_FACTORS = 4
N_RELATIONS = 16
CHANNEL = 128
E = 320000


def setup_inputs(seed: int = 0) -> dict:
    key = jax.random.key(seed)
    ks = jax.random.split(key, 8)
    entity_emb = jax.random.normal(ks[0], (N_ENTITIES, CHANNEL), dtype=jnp.float32)
    user_emb = jax.random.normal(ks[1], (N_USERS, CHANNEL), dtype=jnp.float32)
    latent_emb = jax.random.normal(ks[2], (N_FACTORS, CHANNEL), dtype=jnp.float32)
    edge_index = jax.random.randint(ks[3], (2, E), 0, N_ENTITIES, dtype=jnp.int32)
    edge_type = jax.random.randint(ks[4], (E,), 0, N_RELATIONS, dtype=jnp.int32)
    interact_mat = jax.random.uniform(ks[5], (N_USERS, N_ENTITIES), dtype=jnp.float32)
    weight = jax.random.normal(ks[6], (N_RELATIONS, CHANNEL), dtype=jnp.float32)
    disen_weight_att = jax.random.normal(ks[7], (N_FACTORS, N_RELATIONS), dtype=jnp.float32)
    return {
        "entity_emb": entity_emb,
        "user_emb": user_emb,
        "latent_emb": latent_emb,
        "edge_index": edge_index,
        "edge_type": edge_type,
        "interact_mat": interact_mat,
        "weight": weight,
        "disen_weight_att": disen_weight_att,
    }


def reference(entity_emb, user_emb, latent_emb, edge_index, edge_type, interact_mat, weight, disen_weight_att):
    n_entities = entity_emb.shape[0]
    channel = entity_emb.shape[1]
    n_users = user_emb.shape[0]
    n_factors = latent_emb.shape[0]

    # KG aggregate
    head = edge_index[0]
    tail = edge_index[1]
    edge_relation_emb = weight[edge_type - 1]  # negative index wraps, same as torch
    neigh_relation_emb = entity_emb[tail] * edge_relation_emb
    # scatter_mean over head indices
    sums = jnp.zeros((n_entities, channel), dtype=entity_emb.dtype).at[head].add(neigh_relation_emb)
    counts = jnp.zeros((n_entities,), dtype=entity_emb.dtype).at[head].add(1.0)
    entity_agg = sums / jnp.clip(counts, 1.0, None)[:, None]

    # user -> latent factor attention
    score_ = user_emb @ latent_emb.T
    score = jax.nn.softmax(score_, axis=1)[:, :, None]

    # user aggregate (torch.sparse.mm == dense matmul mathematically)
    user_agg = interact_mat @ entity_emb
    disen_weight = jax.nn.softmax(disen_weight_att, axis=-1) @ weight  # [n_factors, channel]
    disen_weight = jnp.broadcast_to(disen_weight[None, :, :], (n_users, n_factors, channel))
    user_agg = user_agg * (disen_weight * score).sum(axis=1) + user_agg
    return (entity_agg, user_agg)

if __name__ == "__main__":
    import jax
    _d = setup_inputs()
    print(jax.jit(kernel)(*tuple(_d.values())))

</pallas_src>

<mosaic_0001>
#map = affine_map<(d0, d1) -> (0, 0)>
#map1 = affine_map<(d0, d1) -> (0, 0, 0)>
#map2 = affine_map<(d0, d1) -> (0)>
module attributes {stable_mosaic.version = 14 : i64} {
  func.func @_sc_kg_body(%arg0: i32, %arg1: i32, %arg2: memref<10000x128xf32, #tpu.memory_space<hbm>>, %arg3: memref<4000x3x80xi32, #tpu.memory_space<hbm>>, %arg4: memref<16x128xf32, #tpu.memory_space<hbm>>, %arg5: memref<2x10000x128xf32, #tpu.memory_space<hbm>>, %arg6: memref<20000xf32, #tpu.memory_space<hbm>>, %arg7: memref<10000x128xf32, #tpu.memory_space<vmem_shared>>, %arg8: memref<10000xf32, #tpu.memory_space<vmem_shared>>, %arg9: memref<16x128xf32, #tpu.memory_space<vmem_shared>>, %arg10: memref<3x80xi32, #tpu.memory_space<vmem>>, %arg11: memref<3x80xi32, #tpu.memory_space<vmem>>, %arg12: memref<80x128xf32, #tpu.memory_space<vmem>>, %arg13: memref<80x128xf32, #tpu.memory_space<vmem>>, %arg14: memref<80x128xf32, #tpu.memory_space<vmem>>, %arg15: memref<80xf32, #tpu.memory_space<vmem>>, %arg16: memref<624xf32, #tpu.memory_space<vmem>>, %arg17: memref<!tpu.dma_semaphore, #tpu.memory_space<semaphore_mem>>, %arg18: memref<!tpu.dma_semaphore, #tpu.memory_space<semaphore_mem>>) attributes {dimension_semantics = [#tpu.dimension_semantics<core_parallel>, #tpu.dimension_semantics<subcore_parallel>], iteration_bounds = array<i64: 2, 16>, scalar_prefetch = 0 : i64, scratch_operands = 12 : i64, tpu.core_type = #tpu.core_type<sc_vector_subcore>, window_params = [{transform_indices = #map}, {transform_indices = #map1}, {transform_indices = #map}, {transform_indices = #map1}, {transform_indices = #map2}]} {
    %mul3A = arith.constant 2 : i32
    %mul3A_0 = arith.muli %arg1, %mul3A : i32
    %add3A = arith.addi %mul3A_0, %arg0 : i32
    %broadcast_in_dim3A = arith.constant 0.000000e+00 : f32
    %broadcast_in_dim3A_1 = vector.broadcast %broadcast_in_dim3A : f32 to vector<16xf32>
    %broadcast_in_dim3A_2 = arith.constant 1.000000e+00 : f32
    %broadcast_in_dim3A_3 = vector.broadcast %broadcast_in_dim3A_2 : f32 to vector<16xf32>
    %swap3A = arith.constant 0 : index
    %swap3A_4 = tpu.vector_load %arg15[%swap3A] {strides = array<i32>} : memref<80xf32, #tpu.memory_space<vmem>>, vector<16xf32>,
    %swap3A_5 = vector.shape_cast %swap3A_4 : vector<16xf32> to vector<16xf32>
    %swap3A_6 = vector.shape_cast %broadcast_in_dim3A_3 : vector<16xf32> to vector<16xf32>
    tpu.vector_store %arg15[%swap3A], %swap3A_6 {strides = array<i32>} : memref<80xf32, #tpu.memory_space<vmem>>, vector<16xf32>,
    %swap3A_7 = arith.constant 16 : index
    %swap3A_8 = tpu.vector_load %arg15[%swap3A_7] {strides = array<i32>} : memref<80xf32, #tpu.memory_space<vmem>>, vector<16xf32>,
    %swap3A_9 = vector.shape_cast %swap3A_8 : vector<16xf32> to vector<16xf32>
    %swap3A_10 = vector.shape_cast %broadcast_in_dim3A_3 : vector<16xf32> to vector<16xf32>
    tpu.vector_store %arg15[%swap3A_7], %swap3A_10 {strides = array<i32>} : memref<80xf32, #tpu.memory_space<vmem>>, vector<16xf32>,
    %swap3A_11 = arith.constant 32 : index
    %swap3A_12 = tpu.vector_load %arg15[%swap3A_11] {strides = array<i32>} : memref<80xf32, #tpu.memory_space<vmem>>, vector<16xf32>,
    %swap3A_13 = vector.shape_cast %swap3A_12 : vector<16xf32> to vector<16xf32>
    %swap3A_14 = vector.shape_cast %broadcast_in_dim3A_3 : vector<16xf32> to vector<16xf32>
    tpu.vector_store %arg15[%swap3A_11], %swap3A_14 {strides = array<i32>} : memref<80xf32, #tpu.memory_space<vmem>>, vector<16xf32>,
    %swap3A_15 = arith.constant 48 : index
    %swap3A_16 = tpu.vector_load %arg15[%swap3A_15] {strides = array<i32>} : memref<80xf32, #tpu.memory_space<vmem>>, vector<16xf32>,
    %swap3A_17 = vector.shape_cast %swap3A_16 : vector<16xf32> to vector<16xf32>
    %swap3A_18 = vector.shape_cast %broadcast_in_dim3A_3 : vector<16xf32> to vector<16xf32>
    tpu.vector_store %arg15[%swap3A_15], %swap3A_18 {strides = array<i32>} : memref<80xf32, #tpu.memory_space<vmem>>, vector<16xf32>,
    %swap3A_19 = arith.constant 64 : index
    %swap3A_20 = tpu.vector_load %arg15[%swap3A_19] {strides = array<i32>} : memref<80xf32, #tpu.memory_space<vmem>>, vector<16xf32>,
    %swap3A_21 = vector.shape_cast %swap3A_20 : vector<16xf32> to vector<16xf32>
    %swap3A_22 = vector.shape_cast %broadcast_in_dim3A_3 : vector<16xf32> to vector<16xf32>
    tpu.vector_store %arg15[%swap3A_19], %swap3A_22 {strides = array<i32>} : memref<80xf32, #tpu.memory_space<vmem>>, vector<16xf32>,
    %scan3A = arith.constant 0 : i32
    %scan3A_23 = arith.constant 0 : i32
    %scan3A_24 = arith.constant 39 : i32
    %scan3A_25 = arith.addi %scan3A_23, %scan3A_24 : i32
    %scan3A_26 = arith.constant 1 : i32
    scf.for %scan3A_99 = %scan3A_23 to %scan3A_25 step %scan3A_26  : i32 {
      %mul3A_100 = arith.constant 16 : i32
      %mul3A_101 = arith.muli %scan3A_99, %mul3A_100 : i32
      %swap3A_102 = arith.index_cast %mul3A_101 : i32 to index
      %swap3A_103 = tpu.vector_load %arg16[%swap3A_102] {strides = array<i32>} : memref<624xf32, #tpu.memory_space<vmem>>, vector<16xf32>,
      %swap3A_104 = vector.shape_cast %swap3A_103 : vector<16xf32> to vector<16xf32>
      %swap3A_105 = vector.shape_cast %broadcast_in_dim3A_1 : vector<16xf32> to vector<16xf32>
      tpu.vector_store %arg16[%swap3A_102], %swap3A_105 {strides = array<i32>} : memref<624xf32, #tpu.memory_space<vmem>>, vector<16xf32>,
    }
    %scan3A_27 = arith.constant 39 : i32
    %eq3A = arith.constant 0 : i32
    %eq3A_28 = arith.cmpi eq, %arg1, %eq3A : i32
    %convert_element_type3A = arith.extui %eq3A_28 : i1 to i32
    %cond3A = arith.constant 0 : i32
    %cond3A_29 = arith.cmpi ne, %convert_element_type3A, %cond3A : i32
    scf.if %cond3A_29 {
      "tpu.region"() ({
        %run_scoped3A_99 = tpu.sem_alloc : memref<!tpu.dma_semaphore, #tpu.memory_space<semaphore_mem>>
        %dma_start3A_100 = arith.constant 0 : i32
        %dma_start3A_101 = arith.constant 0 : i32
        %dma_start3A_102 = tpu.memref_slice %arg12[%dma_start3A_100, %dma_start3A_101] : memref<80x128xf32, #tpu.memory_space<vmem>> -> memref<16x128xf32, #tpu.memory_space<vmem>>
        %dma_start3A_103 = arith.constant 0 : i32
        %dma_start3A_104 = arith.constant 0 : i32
        %dma_start3A_105 = tpu.memref_slice %arg12[%dma_start3A_103, %dma_start3A_104] : memref<80x128xf32, #tpu.memory_space<vmem>> -> memref<16x128xf32, #tpu.memory_space<vmem>>
        tpu.enqueue_dma source(%arg4 : memref<16x128xf32, #tpu.memory_space<hbm>>) target(%dma_start3A_105 : memref<16x128xf32, #tpu.memory_space<vmem>>) target_semaphore(%run_scoped3A_99 : memref<!tpu.dma_semaphore, #tpu.memory_space<semaphore_mem>>)
        %dma_wait3A_106 = arith.constant 0 : i32
        %dma_wait3A_107 = arith.constant 0 : i32
        %dma_wait3A_108 = tpu.memref_slice %arg12[%dma_wait3A_106, %dma_wait3A_107] : memref<80x128xf32, #tpu.memory_space<vmem>> -> memref<16x128xf32, #tpu.memory_space<vmem>>
        %dma_wait3A_109 = arith.constant 0 : i32
        %dma_wait3A_110 = arith.constant 0 : i32
        %dma_wait3A_111 = tpu.memref_slice %arg12[%dma_wait3A_109, %dma_wait3A_110] : memref<80x128xf32, #tpu.memory_space<vmem>> -> memref<16x128xf32, #tpu.memory_space<vmem>>
        tpu.wait_dma2 semaphore(%run_scoped3A_99 : memref<!tpu.dma_semaphore, #tpu.memory_space<semaphore_mem>>) src(%arg4 : memref<16x128xf32, #tpu.memory_space<hbm>>) dst(%dma_wait3A_111 : memref<16x128xf32, #tpu.memory_space<vmem>>)
        tpu.yield
      }) : () -> ()
      "tpu.region"() ({
        %run_scoped3A_99 = tpu.sem_alloc : memref<!tpu.dma_semaphore, #tpu.memory_space<semaphore_mem>>
        %dma_start3A_100 = arith.constant 0 : i32
        %dma_start3A_101 = arith.constant 0 : i32
        %dma_start3A_102 = tpu.memref_slice %arg12[%dma_start3A_100, %dma_start3A_101] : memref<80x128xf32, #tpu.memory_space<vmem>> -> memref<16x128xf32, #tpu.memory_space<vmem>>
        %dma_start3A_103 = arith.constant 0 : i32
        %dma_start3A_104 = arith.constant 0 : i32
        %dma_start3A_105 = tpu.memref_slice %arg12[%dma_start3A_103, %dma_start3A_104] : memref<80x128xf32, #tpu.memory_space<vmem>> -> memref<16x128xf32, #tpu.memory_space<vmem>>
        tpu.enqueue_dma source(%dma_start3A_105 : memref<16x128xf32, #tpu.memory_space<vmem>>) target(%arg9 : memref<16x128xf32, #tpu.memory_space<vmem_shared>>) target_semaphore(%run_scoped3A_99 : memref<!tpu.dma_semaphore, #tpu.memory_space<semaphore_mem>>)
        %dma_wait3A_106 = arith.constant 0 : i32
        %dma_wait3A_107 = arith.constant 0 : i32
        %dma_wait3A_108 = tpu.memref_slice %arg12[%dma_wait3A_106, %dma_wait3A_107] : memref<80x128xf32, #tpu.memory_space<vmem>> -> memref<16x128xf32, #tpu.memory_space<vmem>>
        %dma_wait3A_109 = arith.constant 0 : i32
        %dma_wait3A_110 = arith.constant 0 : i32
        %dma_wait3A_111 = tpu.memref_slice %arg12[%dma_wait3A_109, %dma_wait3A_110] : memref<80x128xf32, #tpu.memory_space<vmem>> -> memref<16x128xf32, #tpu.memory_space<vmem>>
        tpu.wait_dma2 semaphore(%run_scoped3A_99 : memref<!tpu.dma_semaphore, #tpu.memory_space<semaphore_mem>>) src(%dma_wait3A_111 : memref<16x128xf32, #tpu.memory_space<vmem>>) dst(%arg9 : memref<16x128xf32, #tpu.memory_space<vmem_shared>>)
        tpu.yield
      }) : () -> ()
    } else {
    }
    %scan3A_30 = arith.constant 0 : i32
    %scan3A_31 = arith.constant 0 : i32
    %scan3A_32 = arith.constant 80 : i32
    %scan3A_33 = arith.addi %scan3A_31, %scan3A_32 : i32
    %scan3A_34 = arith.constant 1 : i32
    scf.for %scan3A_99 = %scan3A_31 to %scan3A_33 step %scan3A_34  : i32 {
      %swap3A_100 = arith.index_cast %scan3A_99 : i32 to index
      %swap3A_101 = arith.constant 0 : index
      %swap3A_102 = tpu.vector_load %arg12[%swap3A_100, %swap3A_101] {strides = array<i32>} : memref<80x128xf32, #tpu.memory_space<vmem>>, vector<1x16xf32>,
      %swap3A_103 = vector.shape_cast %swap3A_102 : vector<1x16xf32> to vector<16xf32>
      %swap3A_104 = vector.shape_cast %broadcast_in_dim3A_1 : vector<16xf32> to vector<1x16xf32>
      tpu.vector_store %arg12[%swap3A_100, %swap3A_101], %swap3A_104 {strides = array<i32>} : memref<80x128xf32, #tpu.memory_space<vmem>>, vector<1x16xf32>,
      %swap3A_105 = arith.index_cast %scan3A_99 : i32 to index
      %swap3A_106 = arith.constant 16 : index
      %swap3A_107 = tpu.vector_load %arg12[%swap3A_105, %swap3A_106] {strides = array<i32>} : memref<80x128xf32, #tpu.memory_space<vmem>>, vector<1x16xf32>,
      %swap3A_108 = vector.shape_cast %swap3A_107 : vector<1x16xf32> to vector<16xf32>
      %swap3A_109 = vector.shape_cast %broadcast_in_dim3A_1 : vector<16xf32> to vector<1x16xf32>
      tpu.vector_store %arg12[%swap3A_105, %swap3A_106], %swap3A_109 {strides = array<i32>} : memref<80x128xf32, #tpu.memory_space<vmem>>, vector<1x16xf32>,
      %swap3A_110 = arith.index_cast %scan3A_99 : i32 to index
      %swap3A_111 = arith.constant 32 : index
      %swap3A_112 = tpu.vector_load %arg12[%swap3A_110, %swap3A_111] {strides = array<i32>} : memref<80x128xf32, #tpu.memory_space<vmem>>, vector<1x16xf32>,
      %swap3A_113 = vector.shape_cast %swap3A_112 : vector<1x16xf32> to vector<16xf32>
      %swap3A_114 = vector.shape_cast %broadcast_in_dim3A_1 : vector<16xf32> to vector<1x16xf32>
      tpu.vector_store %arg12[%swap3A_110, %swap3A_111], %swap3A_114 {strides = array<i32>} : memref<80x128xf32, #tpu.memory_space<vmem>>, vector<1x16xf32>,
      %swap3A_115 = arith.index_cast %scan3A_99 : i32 to index
      %swap3A_116 = arith.constant 48 : index
      %swap3A_117 = tpu.vector_load %arg12[%swap3A_115, %swap3A_116] {strides = array<i32>} : memref<80x128xf32, #tpu.memory_space<vmem>>, vector<1x16xf32>,
      %swap3A_118 = vector.shape_cast %swap3A_117 : vector<1x16xf32> to vector<16xf32>
      %swap3A_119 = vector.shape_cast %broadcast_in_dim3A_1 : vector<16xf32> to vector<1x16xf32>
      tpu.vector_store %arg12[%swap3A_115, %swap3A_116], %swap3A_119 {strides = array<i32>} : memref<80x128xf32, #tpu.memory_space<vmem>>, vector<1x16xf32>,
      %swap3A_120 = arith.index_cast %scan3A_99 : i32 to index
      %swap3A_121 = arith.constant 64 : index
      %swap3A_122 = tpu.vector_load %arg12[%swap3A_120, %swap3A_121] {strides = array<i32>} : memref<80x128xf32, #tpu.memory_space<vmem>>, vector<1x16xf32>,
      %swap3A_123 = vector.shape_cast %swap3A_122 : vector<1x16xf32> to vector<16xf32>
      %swap3A_124 = vector.shape_cast %broadcast_in_dim3A_1 : vector<16xf32> to vector<1x16xf32>
      tpu.vector_store %arg12[%swap3A_120, %swap3A_121], %swap3A_124 {strides = array<i32>} : memref<80x128xf32, #tpu.memory_space<vmem>>, vector<1x16xf32>,
      %swap3A_125 = arith.index_cast %scan3A_99 : i32 to index
      %swap3A_126 = arith.constant 80 : index
      %swap3A_127 = tpu.vector_load %arg12[%swap3A_125, %swap3A_126] {strides = array<i32>} : memref<80x128xf32, #tpu.memory_space<vmem>>, vector<1x16xf32>,
      %swap3A_128 = vector.shape_cast %swap3A_127 : vector<1x16xf32> to vector<16xf32>
      %swap3A_129 = vector.shape_cast %broadcast_in_dim3A_1 : vector<16xf32> to vector<1x16xf32>
      tpu.vector_store %arg12[%swap3A_125, %swap3A_126], %swap3A_129 {strides = array<i32>} : memref<80x128xf32, #tpu.memory_space<vmem>>, vector<1x16xf32>,
      %swap3A_130 = arith.index_cast %scan3A_99 : i32 to index
      %swap3A_131 = arith.constant 96 : index
      %swap3A_132 = tpu.vector_load %arg12[%swap3A_130, %swap3A_131] {strides = array<i32>} : memref<80x128xf32, #tpu.memory_space<vmem>>, vector<1x16xf32>,
      %swap3A_133 = vector.shape_cast %swap3A_132 : vector<1x16xf32> to vector<16xf32>
      %swap3A_134 = vector.shape_cast %broadcast_in_dim3A_1 : vector<16xf32> to vector<1x16xf32>
      tpu.vector_store %arg12[%swap3A_130, %swap3A_131], %swap3A_134 {strides = array<i32>} : memref<80x128xf32, #tpu.memory_space<vmem>>, vector<1x16xf32>,
      %swap3A_135 = arith.index_cast %scan3A_99 : i32 to index
      %swap3A_136 = arith.constant 112 : index
      %swap3A_137 = tpu.vector_load %arg12[%swap3A_135, %swap3A_136] {strides = array<i32>} : memref<80x128xf32, #tpu.memory_space<vmem>>, vector<1x16xf32>,
      %swap3A_138 = vector.shape_cast %swap3A_137 : vector<1x16xf32> to vector<16xf32>
      %swap3A_139 = vector.shape_cast %broadcast_in_dim3A_1 : vector<16xf32> to vector<1x16xf32>
      tpu.vector_store %arg12[%swap3A_135, %swap3A_136], %swap3A_139 {strides = array<i32>} : memref<80x128xf32, #tpu.memory_space<vmem>>, vector<1x16xf32>,
    }
    %scan3A_35 = arith.constant 80 : i32
    %mul3A_36 = arith.constant 624 : i32
    %mul3A_37 = arith.muli %arg1, %mul3A_36 : i32
    %multiple_of3A = tpu.assume_multiple %mul3A_37, 8 : i32
    %add3A_38 = arith.constant 0 : i32
    %add3A_39 = arith.addi %multiple_of3A, %add3A_38 : i32
    "tpu.region"() ({
      %run_scoped3A_99 = tpu.sem_alloc : memref<!tpu.dma_semaphore, #tpu.memory_space<semaphore_mem>>
      %dma_start3A_100 = arith.constant 0 : i32
      %dma_start3A_101 = tpu.memref_slice %arg7[%add3A_39, %dma_start3A_100] : memref<10000x128xf32, #tpu.memory_space<vmem_shared>> -> memref<80x128xf32, #tpu.memory_space<vmem_shared>>
      %dma_start3A_102 = arith.constant 0 : i32
      %dma_start3A_103 = tpu.memref_slice %arg7[%add3A_39, %dma_start3A_102] : memref<10000x128xf32, #tpu.memory_space<vmem_shared>> -> memref<80x128xf32, #tpu.memory_space<vmem_shared>>
      tpu.enqueue_dma source(%arg12 : memref<80x128xf32, #tpu.memory_space<vmem>>) target(%dma_start3A_103 : memref<80x128xf32, #tpu.memory_space<vmem_shared>>) target_semaphore(%run_scoped3A_99 : memref<!tpu.dma_semaphore, #tpu.memory_space<semaphore_mem>>)
      %dma_wait3A_104 = arith.constant 0 : i32
      %dma_wait3A_105 = tpu.memref_slice %arg7[%add3A_39, %dma_wait3A_104] : memref<10000x128xf32, #tpu.memory_space<vmem_shared>> -> memref<80x128xf32, #tpu.memory_space<vmem_shared>>
      %dma_wait3A_106 = arith.constant 0 : i32
      %dma_wait3A_107 = tpu.memref_slice %arg7[%add3A_39, %dma_wait3A_106] : memref<10000x128xf32, #tpu.memory_space<vmem_shared>> -> memref<80x128xf32, #tpu.memory_space<vmem_shared>>
      tpu.wait_dma2 semaphore(%run_scoped3A_99 : memref<!tpu.dma_semaphore, #tpu.memory_space<semaphore_mem>>) src(%arg12 : memref<80x128xf32, #tpu.memory_space<vmem>>) dst(%dma_wait3A_107 : memref<80x128xf32, #tpu.memory_space<vmem_shared>>)
      tpu.yield
    }) : () -> ()
    %add3A_40 = arith.constant 80 : i32
    %add3A_41 = arith.addi %multiple_of3A, %add3A_40 : i32
    "tpu.region"() ({
      %run_scoped3A_99 = tpu.sem_alloc : memref<!tpu.dma_semaphore, #tpu.memory_space<semaphore_mem>>
      %dma_start3A_100 = arith.constant 0 : i32
      %dma_start3A_101 = tpu.memref_slice %arg7[%add3A_41, %dma_start3A_100] : memref<10000x128xf32, #tpu.memory_space<vmem_shared>> -> memref<80x128xf32, #tpu.memory_space<vmem_shared>>
      %dma_start3A_102 = arith.constant 0 : i32
      %dma_start3A_103 = tpu.memref_slice %arg7[%add3A_41, %dma_start3A_102] : memref<10000x128xf32, #tpu.memory_space<vmem_shared>> -> memref<80x128xf32, #tpu.memory_space<vmem_shared>>
      tpu.enqueue_dma source(%arg12 : memref<80x128xf32, #tpu.memory_space<vmem>>) target(%dma_start3A_103 : memref<80x128xf32, #tpu.memory_space<vmem_shared>>) target_semaphore(%run_scoped3A_99 : memref<!tpu.dma_semaphore, #tpu.memory_space<semaphore_mem>>)
      %dma_wait3A_104 = arith.constant 0 : i32
      %dma_wait3A_105 = tpu.memref_slice %arg7[%add3A_41, %dma_wait3A_104] : memref<10000x128xf32, #tpu.memory_space<vmem_shared>> -> memref<80x128xf32, #tpu.memory_space<vmem_shared>>
      %dma_wait3A_106 = arith.constant 0 : i32
      %dma_wait3A_107 = tpu.memref_slice %arg7[%add3A_41, %dma_wait3A_106] : memref<10000x128xf32, #tpu.memory_space<vmem_shared>> -> memref<80x128xf32, #tpu.memory_space<vmem_shared>>
      tpu.wait_dma2 semaphore(%run_scoped3A_99 : memref<!tpu.dma_semaphore, #tpu.memory_space<semaphore_mem>>) src(%arg12 : memref<80x128xf32, #tpu.memory_space<vmem>>) dst(%dma_wait3A_107 : memref<80x128xf32, #tpu.memory_space<vmem_shared>>)
      tpu.yield
    }) : () -> ()
    %add3A_42 = arith.constant 160 : i32
    %add3A_43 = arith.addi %multiple_of3A, %add3A_42 : i32
    "tpu.region"() ({
      %run_scoped3A_99 = tpu.sem_alloc : memref<!tpu.dma_semaphore, #tpu.memory_space<semaphore_mem>>
      %dma_start3A_100 = arith.constant 0 : i32
      %dma_start3A_101 = tpu.memref_slice %arg7[%add3A_43, %dma_start3A_100] : memref<10000x128xf32, #tpu.memory_space<vmem_shared>> -> memref<80x128xf32, #tpu.memory_space<vmem_shared>>
      %dma_start3A_102 = arith.constant 0 : i32
      %dma_start3A_103 = tpu.memref_slice %arg7[%add3A_43, %dma_start3A_102] : memref<10000x128xf32, #tpu.memory_space<vmem_shared>> -> memref<80x128xf32, #tpu.memory_space<vmem_shared>>
      tpu.enqueue_dma source(%arg12 : memref<80x128xf32, #tpu.memory_space<vmem>>) target(%dma_start3A_103 : memref<80x128xf32, #tpu.memory_space<vmem_shared>>) target_semaphore(%run_scoped3A_99 : memref<!tpu.dma_semaphore, #tpu.memory_space<semaphore_mem>>)
      %dma_wait3A_104 = arith.constant 0 : i32
      %dma_wait3A_105 = tpu.memref_slice %arg7[%add3A_43, %dma_wait3A_104] : memref<10000x128xf32, #tpu.memory_space<vmem_shared>> -> memref<80x128xf32, #tpu.memory_space<vmem_shared>>
      %dma_wait3A_106 = arith.constant 0 : i32
      %dma_wait3A_107 = tpu.memref_slice %arg7[%add3A_43, %dma_wait3A_106] : memref<10000x128xf32, #tpu.memory_space<vmem_shared>> -> memref<80x128xf32, #tpu.memory_space<vmem_shared>>
      tpu.wait_dma2 semaphore(%run_scoped3A_99 : memref<!tpu.dma_semaphore, #tpu.memory_space<semaphore_mem>>) src(%arg12 : memref<80x128xf32, #tpu.memory_space<vmem>>) dst(%dma_wait3A_107 : memref<80x128xf32, #tpu.memory_space<vmem_shared>>)
      tpu.yield
    }) : () -> ()
    %add3A_44 = arith.constant 240 : i32
    %add3A_45 = arith.addi %multiple_of3A, %add3A_44 : i32
    "tpu.region"() ({
      %run_scoped3A_99 = tpu.sem_alloc : memref<!tpu.dma_semaphore, #tpu.memory_space<semaphore_mem>>
      %dma_start3A_100 = arith.constant 0 : i32
      %dma_start3A_101 = tpu.memref_slice %arg7[%add3A_45, %dma_start3A_100] : memref<10000x128xf32, #tpu.memory_space<vmem_shared>> -> memref<80x128xf32, #tpu.memory_space<vmem_shared>>
      %dma_start3A_102 = arith.constant 0 : i32
      %dma_start3A_103 = tpu.memref_slice %arg7[%add3A_45, %dma_start3A_102] : memref<10000x128xf32, #tpu.memory_space<vmem_shared>> -> memref<80x128xf32, #tpu.memory_space<vmem_shared>>
      tpu.enqueue_dma source(%arg12 : memref<80x128xf32, #tpu.memory_space<vmem>>) target(%dma_start3A_103 : memref<80x128xf32, #tpu.memory_space<vmem_shared>>) target_semaphore(%run_scoped3A_99 : memref<!tpu.dma_semaphore, #tpu.memory_space<semaphore_mem>>)
      %dma_wait3A_104 = arith.constant 0 : i32
      %dma_wait3A_105 = tpu.memref_slice %arg7[%add3A_45, %dma_wait3A_104] : memref<10000x128xf32, #tpu.memory_space<vmem_shared>> -> memref<80x128xf32, #tpu.memory_space<vmem_shared>>
      %dma_wait3A_106 = arith.constant 0 : i32
      %dma_wait3A_107 = tpu.memref_slice %arg7[%add3A_45, %dma_wait3A_106] : memref<10000x128xf32, #tpu.memory_space<vmem_shared>> -> memref<80x128xf32, #tpu.memory_space<vmem_shared>>
      tpu.wait_dma2 semaphore(%run_scoped3A_99 : memref<!tpu.dma_semaphore, #tpu.memory_space<semaphore_mem>>) src(%arg12 : memref<80x128xf32, #tpu.memory_space<vmem>>) dst(%dma_wait3A_107 : memref<80x128xf32, #tpu.memory_space<vmem_shared>>)
      tpu.yield
    }) : () -> ()
    %add3A_46 = arith.constant 320 : i32
    %add3A_47 = arith.addi %multiple_of3A, %add3A_46 : i32
    "tpu.region"() ({
      %run_scoped3A_99 = tpu.sem_alloc : memref<!tpu.dma_semaphore, #tpu.memory_space<semaphore_mem>>
      %dma_start3A_100 = arith.constant 0 : i32
      %dma_start3A_101 = tpu.memref_slice %arg7[%add3A_47, %dma_start3A_100] : memref<10000x128xf32, #tpu.memory_space<vmem_shared>> -> memref<80x128xf32, #tpu.memory_space<vmem_shared>>
      %dma_start3A_102 = arith.constant 0 : i32
      %dma_start3A_103 = tpu.memref_slice %arg7[%add3A_47, %dma_start3A_102] : memref<10000x128xf32, #tpu.memory_space<vmem_shared>> -> memref<80x128xf32, #tpu.memory_space<vmem_shared>>
      tpu.enqueue_dma source(%arg12 : memref<80x128xf32, #tpu.memory_space<vmem>>) target(%dma_start3A_103 : memref<80x128xf32, #tpu.memory_space<vmem_shared>>) target_semaphore(%run_scoped3A_99 : memref<!tpu.dma_semaphore, #tpu.memory_space<semaphore_mem>>)
      %dma_wait3A_104 = arith.constant 0 : i32
      %dma_wait3A_105 = tpu.memref_slice %arg7[%add3A_47, %dma_wait3A_104] : memref<10000x128xf32, #tpu.memory_space<vmem_shared>> -> memref<80x128xf32, #tpu.memory_space<vmem_shared>>
      %dma_wait3A_106 = arith.constant 0 : i32
      %dma_wait3A_107 = tpu.memref_slice %arg7[%add3A_47, %dma_wait3A_106] : memref<10000x128xf32, #tpu.memory_space<vmem_shared>> -> memref<80x128xf32, #tpu.memory_space<vmem_shared>>
      tpu.wait_dma2 semaphore(%run_scoped3A_99 : memref<!tpu.dma_semaphore, #tpu.memory_space<semaphore_mem>>) src(%arg12 : memref<80x128xf32, #tpu.memory_space<vmem>>) dst(%dma_wait3A_107 : memref<80x128xf32, #tpu.memory_space<vmem_shared>>)
      tpu.yield
    }) : () -> ()
    %add3A_48 = arith.constant 400 : i32
    %add3A_49 = arith.addi %multiple_of3A, %add3A_48 : i32
    "tpu.region"() ({
      %run_scoped3A_99 = tpu.sem_alloc : memref<!tpu.dma_semaphore, #tpu.memory_space<semaphore_mem>>
      %dma_start3A_100 = arith.constant 0 : i32
      %dma_start3A_101 = tpu.memref_slice %arg7[%add3A_49, %dma_start3A_100] : memref<10000x128xf32, #tpu.memory_space<vmem_shared>> -> memref<80x128xf32, #tpu.memory_space<vmem_shared>>
      %dma_start3A_102 = arith.constant 0 : i32
      %dma_start3A_103 = tpu.memref_slice %arg7[%add3A_49, %dma_start3A_102] : memref<10000x128xf32, #tpu.memory_space<vmem_shared>> -> memref<80x128xf32, #tpu.memory_space<vmem_shared>>
      tpu.enqueue_dma source(%arg12 : memref<80x128xf32, #tpu.memory_space<vmem>>) target(%dma_start3A_103 : memref<80x128xf32, #tpu.memory_space<vmem_shared>>) target_semaphore(%run_scoped3A_99 : memref<!tpu.dma_semaphore, #tpu.memory_space<semaphore_mem>>)
      %dma_wait3A_104 = arith.constant 0 : i32
      %dma_wait3A_105 = tpu.memref_slice %arg7[%add3A_49, %dma_wait3A_104] : memref<10000x128xf32, #tpu.memory_space<vmem_shared>> -> memref<80x128xf32, #tpu.memory_space<vmem_shared>>
      %dma_wait3A_106 = arith.constant 0 : i32
      %dma_wait3A_107 = tpu.memref_slice %arg7[%add3A_49, %dma_wait3A_106] : memref<10000x128xf32, #tpu.memory_space<vmem_shared>> -> memref<80x128xf32, #tpu.memory_space<vmem_shared>>
      tpu.wait_dma2 semaphore(%run_scoped3A_99 : memref<!tpu.dma_semaphore, #tpu.memory_space<semaphore_mem>>) src(%arg12 : memref<80x128xf32, #tpu.memory_space<vmem>>) dst(%dma_wait3A_107 : memref<80x128xf32, #tpu.memory_space<vmem_shared>>)
      tpu.yield
    }) : () -> ()
    %add3A_50 = arith.constant 480 : i32
    %add3A_51 = arith.addi %multiple_of3A, %add3A_50 : i32
    "tpu.region"() ({
      %run_scoped3A_99 = tpu.sem_alloc : memref<!tpu.dma_semaphore, #tpu.memory_space<semaphore_mem>>
      %dma_start3A_100 = arith.constant 0 : i32
      %dma_start3A_101 = tpu.memref_slice %arg7[%add3A_51, %dma_start3A_100] : memref<10000x128xf32, #tpu.memory_space<vmem_shared>> -> memref<80x128xf32, #tpu.memory_space<vmem_shared>>
      %dma_start3A_102 = arith.constant 0 : i32
      %dma_start3A_103 = tpu.memref_slice %arg7[%add3A_51, %dma_start3A_102] : memref<10000x128xf32, #tpu.memory_space<vmem_shared>> -> memref<80x128xf32, #tpu.memory_space<vmem_shared>>
      tpu.enqueue_dma source(%arg12 : memref<80x128xf32, #tpu.memory_space<vmem>>) target(%dma_start3A_103 : memref<80x128xf32, #tpu.memory_space<vmem_shared>>) target_semaphore(%run_scoped3A_99 : memref<!tpu.dma_semaphore, #tpu.memory_space<semaphore_mem>>)
      %dma_wait3A_104 = arith.constant 0 : i32
      %dma_wait3A_105 = tpu.memref_slice %arg7[%add3A_51, %dma_wait3A_104] : memref<10000x128xf32, #tpu.memory_space<vmem_shared>> -> memref<80x128xf32, #tpu.memory_space<vmem_shared>>
      %dma_wait3A_106 = arith.constant 0 : i32
      %dma_wait3A_107 = tpu.memref_slice %arg7[%add3A_51, %dma_wait3A_106] : memref<10000x128xf32, #tpu.memory_space<vmem_shared>> -> memref<80x128xf32, #tpu.memory_space<vmem_shared>>
      tpu.wait_dma2 semaphore(%run_scoped3A_99 : memref<!tpu.dma_semaphore, #tpu.memory_space<semaphore_mem>>) src(%arg12 : memref<80x128xf32, #tpu.memory_space<vmem>>) dst(%dma_wait3A_107 : memref<80x128xf32, #tpu.memory_space<vmem_shared>>)
      tpu.yield
    }) : () -> ()
    %add3A_52 = arith.constant 560 : i32
    %add3A_53 = arith.addi %multiple_of3A, %add3A_52 : i32
    "tpu.region"() ({
      %run_scoped3A_99 = tpu.sem_alloc : memref<!tpu.dma_semaphore, #tpu.memory_space<semaphore_mem>>
      %dma_start3A_100 = arith.constant 0 : i32
      %dma_start3A_101 = arith.constant 0 : i32
      %dma_start3A_102 = tpu.memref_slice %arg12[%dma_start3A_100, %dma_start3A_101] : memref<80x128xf32, #tpu.memory_space<vmem>> -> memref<64x128xf32, #tpu.memory_space<vmem>>
      %dma_start3A_103 = arith.constant 0 : i32
      %dma_start3A_104 = tpu.memref_slice %arg7[%add3A_53, %dma_start3A_103] : memref<10000x128xf32, #tpu.memory_space<vmem_shared>> -> memref<64x128xf32, #tpu.memory_space<vmem_shared>>
      %dma_start3A_105 = arith.constant 0 : i32
      %dma_start3A_106 = tpu.memref_slice %arg7[%add3A_53, %dma_start3A_105] : memref<10000x128xf32, #tpu.memory_space<vmem_shared>> -> memref<64x128xf32, #tpu.memory_space<vmem_shared>>
      %dma_start3A_107 = arith.constant 0 : i32
      %dma_start3A_108 = arith.constant 0 : i32
      %dma_start3A_109 = tpu.memref_slice %arg12[%dma_start3A_107, %dma_start3A_108] : memref<80x128xf32, #tpu.memory_space<vmem>> -> memref<64x128xf32, #tpu.memory_space<vmem>>
      tpu.enqueue_dma source(%dma_start3A_109 : memref<64x128xf32, #tpu.memory_space<vmem>>) target(%dma_start3A_106 : memref<64x128xf32, #tpu.memory_space<vmem_shared>>) target_semaphore(%run_scoped3A_99 : memref<!tpu.dma_semaphore, #tpu.memory_space<semaphore_mem>>)
      %dma_wait3A_110 = arith.constant 0 : i32
      %dma_wait3A_111 = arith.constant 0 : i32
      %dma_wait3A_112 = tpu.memref_slice %arg12[%dma_wait3A_110, %dma_wait3A_111] : memref<80x128xf32, #tpu.memory_space<vmem>> -> memref<64x128xf32, #tpu.memory_space<vmem>>
      %dma_wait3A_113 = arith.constant 0 : i32
      %dma_wait3A_114 = tpu.memref_slice %arg7[%add3A_53, %dma_wait3A_113] : memref<10000x128xf32, #tpu.memory_space<vmem_shared>> -> memref<64x128xf32, #tpu.memory_space<vmem_shared>>
      %dma_wait3A_115 = arith.constant 0 : i32
      %dma_wait3A_116 = tpu.memref_slice %arg7[%add3A_53, %dma_wait3A_115] : memref<10000x128xf32, #tpu.memory_space<vmem_shared>> -> memref<64x128xf32, #tpu.memory_space<vmem_shared>>
      %dma_wait3A_117 = arith.constant 0 : i32
      %dma_wait3A_118 = arith.constant 0 : i32
      %dma_wait3A_119 = tpu.memref_slice %arg12[%dma_wait3A_117, %dma_wait3A_118] : memref<80x128xf32, #tpu.memory_space<vmem>> -> memref<64x128xf32, #tpu.memory_space<vmem>>
      tpu.wait_dma2 semaphore(%run_scoped3A_99 : memref<!tpu.dma_semaphore, #tpu.memory_space<semaphore_mem>>) src(%dma_wait3A_119 : memref<64x128xf32, #tpu.memory_space<vmem>>) dst(%dma_wait3A_116 : memref<64x128xf32, #tpu.memory_space<vmem_shared>>)
      tpu.yield
    }) : () -> ()
    "tpu.region"() ({
      %run_scoped3A_99 = tpu.sem_alloc : memref<!tpu.dma_semaphore, #tpu.memory_space<semaphore_mem>>
      %dma_start3A_100 = tpu.memref_slice %arg8[%multiple_of3A] : memref<10000xf32, #tpu.memory_space<vmem_shared>> -> memref<624xf32, #tpu.memory_space<vmem_shared>>
      %dma_start3A_101 = tpu.memref_slice %arg8[%multiple_of3A] : memref<10000xf32, #tpu.memory_space<vmem_shared>> -> memref<624xf32, #tpu.memory_space<vmem_shared>>
      tpu.enqueue_dma source(%arg16 : memref<624xf32, #tpu.memory_space<vmem>>) target(%dma_start3A_101 : memref<624xf32, #tpu.memory_space<vmem_shared>>) target_semaphore(%run_scoped3A_99 : memref<!tpu.dma_semaphore, #tpu.memory_space<semaphore_mem>>)
      %dma_wait3A_102 = tpu.memref_slice %arg8[%multiple_of3A] : memref<10000xf32, #tpu.memory_space<vmem_shared>> -> memref<624xf32, #tpu.memory_space<vmem_shared>>
      %dma_wait3A_103 = tpu.memref_slice %arg8[%multiple_of3A] : memref<10000xf32, #tpu.memory_space<vmem_shared>> -> memref<624xf32, #tpu.memory_space<vmem_shared>>
      tpu.wait_dma2 semaphore(%run_scoped3A_99 : memref<!tpu.dma_semaphore, #tpu.memory_space<semaphore_mem>>) src(%arg16 : memref<624xf32, #tpu.memory_space<vmem>>) dst(%dma_wait3A_103 : memref<624xf32, #tpu.memory_space<vmem_shared>>)
      tpu.yield
    }) : () -> ()
    %eq3A_54 = arith.constant 0 : i32
    %eq3A_55 = arith.cmpi eq, %arg1, %eq3A_54 : i32
    %convert_element_type3A_56 = arith.extui %eq3A_55 : i1 to i32
    %cond3A_57 = arith.constant 0 : i32
    %cond3A_58 = arith.cmpi ne, %convert_element_type3A_56, %cond3A_57 : i32
    scf.if %cond3A_58 {
      "tpu.region"() ({
        %run_scoped3A_99 = tpu.sem_alloc : memref<!tpu.dma_semaphore, #tpu.memory_space<semaphore_mem>>
        %dma_start3A_100 = arith.constant 0 : i32
        %dma_start3A_101 = arith.constant 0 : i32
        %dma_start3A_102 = tpu.memref_slice %arg12[%dma_start3A_100, %dma_start3A_101] : memref<80x128xf32, #tpu.memory_space<vmem>> -> memref<16x128xf32, #tpu.memory_space<vmem>>
        %dma_start3A_103 = arith.constant 9984 : i32
        %dma_start3A_104 = arith.constant 0 : i32
        %dma_start3A_105 = tpu.memref_slice %arg7[%dma_start3A_103, %dma_start3A_104] : memref<10000x128xf32, #tpu.memory_space<vmem_shared>> -> memref<16x128xf32, #tpu.memory_space<vmem_shared>>
        %dma_start3A_106 = arith.constant 9984 : i32
        %dma_start3A_107 = arith.constant 0 : i32
        %dma_start3A_108 = tpu.memref_slice %arg7[%dma_start3A_106, %dma_start3A_107] : memref<10000x128xf32, #tpu.memory_space<vmem_shared>> -> memref<16x128xf32, #tpu.memory_space<vmem_shared>>
        %dma_start3A_109 = arith.constant 0 : i32
        %dma_start3A_110 = arith.constant 0 : i32
        %dma_start3A_111 = tpu.memref_slice %arg12[%dma_start3A_109, %dma_start3A_110] : memref<80x128xf32, #tpu.memory_space<vmem>> -> memref<16x128xf32, #tpu.memory_space<vmem>>
        tpu.enqueue_dma source(%dma_start3A_111 : memref<16x128xf32, #tpu.memory_space<vmem>>) target(%dma_start3A_108 : memref<16x128xf32, #tpu.memory_space<vmem_shared>>) target_semaphore(%run_scoped3A_99 : memref<!tpu.dma_semaphore, #tpu.memory_space<semaphore_mem>>)
        %dma_wait3A_112 = arith.constant 0 : i32
        %dma_wait3A_113 = arith.constant 0 : i32
        %dma_wait3A_114 = tpu.memref_slice %arg12[%dma_wait3A_112, %dma_wait3A_113] : memref<80x128xf32, #tpu.memory_space<vmem>> -> memref<16x128xf32, #tpu.memory_space<vmem>>
        %dma_wait3A_115 = arith.constant 9984 : i32
        %dma_wait3A_116 = arith.constant 0 : i32
        %dma_wait3A_117 = tpu.memref_slice %arg7[%dma_wait3A_115, %dma_wait3A_116] : memref<10000x128xf32, #tpu.memory_space<vmem_shared>> -> memref<16x128xf32, #tpu.memory_space<vmem_shared>>
        %dma_wait3A_118 = arith.constant 9984 : i32
        %dma_wait3A_119 = arith.constant 0 : i32
        %dma_wait3A_120 = tpu.memref_slice %arg7[%dma_wait3A_118, %dma_wait3A_119] : memref<10000x128xf32, #tpu.memory_space<vmem_shared>> -> memref<16x128xf32, #tpu.memory_space<vmem_shared>>
        %dma_wait3A_121 = arith.constant 0 : i32
        %dma_wait3A_122 = arith.constant 0 : i32
        %dma_wait3A_123 = tpu.memref_slice %arg12[%dma_wait3A_121, %dma_wait3A_122] : memref<80x128xf32, #tpu.memory_space<vmem>> -> memref<16x128xf32, #tpu.memory_space<vmem>>
        tpu.wait_dma2 semaphore(%run_scoped3A_99 : memref<!tpu.dma_semaphore, #tpu.memory_space<semaphore_mem>>) src(%dma_wait3A_123 : memref<16x128xf32, #tpu.memory_space<vmem>>) dst(%dma_wait3A_120 : memref<16x128xf32, #tpu.memory_space<vmem_shared>>)
        tpu.yield
      }) : () -> ()
      "tpu.region"() ({
        %run_scoped3A_99 = tpu.sem_alloc : memref<!tpu.dma_semaphore, #tpu.memory_space<semaphore_mem>>
        %dma_start3A_100 = arith.constant 0 : i32
        %dma_start3A_101 = tpu.memref_slice %arg16[%dma_start3A_100] : memref<624xf32, #tpu.memory_space<vmem>> -> memref<16xf32, #tpu.memory_space<vmem>>
        %dma_start3A_102 = arith.constant 9984 : i32
        %dma_start3A_103 = tpu.memref_slice %arg8[%dma_start3A_102] : memref<10000xf32, #tpu.memory_space<vmem_shared>> -> memref<16xf32, #tpu.memory_space<vmem_shared>>
        %dma_start3A_104 = arith.constant 9984 : i32
        %dma_start3A_105 = tpu.memref_slice %arg8[%dma_start3A_104] : memref<10000xf32, #tpu.memory_space<vmem_shared>> -> memref<16xf32, #tpu.memory_space<vmem_shared>>
        %dma_start3A_106 = arith.constant 0 : i32
        %dma_start3A_107 = tpu.memref_slice %arg16[%dma_start3A_106] : memref<624xf32, #tpu.memory_space<vmem>> -> memref<16xf32, #tpu.memory_space<vmem>>
        tpu.enqueue_dma source(%dma_start3A_107 : memref<16xf32, #tpu.memory_space<vmem>>) target(%dma_start3A_105 : memref<16xf32, #tpu.memory_space<vmem_shared>>) target_semaphore(%run_scoped3A_99 : memref<!tpu.dma_semaphore, #tpu.memory_space<semaphore_mem>>)
        %dma_wait3A_108 = arith.constant 0 : i32
        %dma_wait3A_109 = tpu.memref_slice %arg16[%dma_wait3A_108] : memref<624xf32, #tpu.memory_space<vmem>> -> memref<16xf32, #tpu.memory_space<vmem>>
        %dma_wait3A_110 = arith.constant 9984 : i32
        %dma_wait3A_111 = tpu.memref_slice %arg8[%dma_wait3A_110] : memref<10000xf32, #tpu.memory_space<vmem_shared>> -> memref<16xf32, #tpu.memory_space<vmem_shared>>
        %dma_wait3A_112 = arith.constant 9984 : i32
        %dma_wait3A_113 = tpu.memref_slice %arg8[%dma_wait3A_112] : memref<10000xf32, #tpu.memory_space<vmem_shared>> -> memref<16xf32, #tpu.memory_space<vmem_shared>>
        %dma_wait3A_114 = arith.constant 0 : i32
        %dma_wait3A_115 = tpu.memref_slice %arg16[%dma_wait3A_114] : memref<624xf32, #tpu.memory_space<vmem>> -> memref<16xf32, #tpu.memory_space<vmem>>
        tpu.wait_dma2 semaphore(%run_scoped3A_99 : memref<!tpu.dma_semaphore, #tpu.memory_space<semaphore_mem>>) src(%dma_wait3A_115 : memref<16xf32, #tpu.memory_space<vmem>>) dst(%dma_wait3A_113 : memref<16xf32, #tpu.memory_space<vmem_shared>>)
        tpu.yield
      }) : () -> ()
    } else {
    }
    %barrier3A = arith.constant 0 : index
    tpu.barrier barrier_id(%barrier3A)
    %mul3A_59 = arith.constant 125 : i32
    %mul3A_60 = arith.muli %add3A, %mul3A_59 : i32
    "tpu.region"() ({
      %run_scoped3A_99 = tpu.sem_alloc : memref<!tpu.dma_semaphore, #tpu.memory_space<semaphore_mem>>
      %dma_start3A_100 = arith.constant 0 : i32
      %dma_start3A_101 = arith.constant 0 : i32
      %dma_start3A_102 = tpu.memref_slice %arg3[%mul3A_60, %dma_start3A_100, %dma_start3A_101] : memref<4000x3x80xi32, #tpu.memory_space<hbm>> -> memref<1x3x80xi32, #tpu.memory_space<hbm>>
      %dma_start3A_103 = tpu.memref_squeeze %dma_start3A_102 : memref<1x3x80xi32, #tpu.memory_space<hbm>> -> memref<3x80xi32, #tpu.memory_space<hbm>>
      %dma_start3A_104 = arith.constant 0 : i32
      %dma_start3A_105 = arith.constant 0 : i32
      %dma_start3A_106 = tpu.memref_slice %arg3[%mul3A_60, %dma_start3A_104, %dma_start3A_105] : memref<4000x3x80xi32, #tpu.memory_space<hbm>> -> memref<1x3x80xi32, #tpu.memory_space<hbm>>
      %dma_start3A_107 = tpu.memref_squeeze %dma_start3A_106 : memref<1x3x80xi32, #tpu.memory_space<hbm>> -> memref<3x80xi32, #tpu.memory_space<hbm>>
      tpu.enqueue_dma source(%dma_start3A_107 : memref<3x80xi32, #tpu.memory_space<hbm>>) target(%arg10 : memref<3x80xi32, #tpu.memory_space<vmem>>) target_semaphore(%run_scoped3A_99 : memref<!tpu.dma_semaphore, #tpu.memory_space<semaphore_mem>>)
      %dma_wait3A_108 = arith.constant 0 : i32
      %dma_wait3A_109 = arith.constant 0 : i32
      %dma_wait3A_110 = tpu.memref_slice %arg3[%mul3A_60, %dma_wait3A_108, %dma_wait3A_109] : memref<4000x3x80xi32, #tpu.memory_space<hbm>> -> memref<1x3x80xi32, #tpu.memory_space<hbm>>
      %dma_wait3A_111 = tpu.memref_squeeze %dma_wait3A_110 : memref<1x3x80xi32, #tpu.memory_space<hbm>> -> memref<3x80xi32, #tpu.memory_space<hbm>>
      %dma_wait3A_112 = arith.constant 0 : i32
      %dma_wait3A_113 = arith.constant 0 : i32
      %dma_wait3A_114 = tpu.memref_slice %arg3[%mul3A_60, %dma_wait3A_112, %dma_wait3A_113] : memref<4000x3x80xi32, #tpu.memory_space<hbm>> -> memref<1x3x80xi32, #tpu.memory_space<hbm>>
      %dma_wait3A_115 = tpu.memref_squeeze %dma_wait3A_114 : memref<1x3x80xi32, #tpu.memory_space<hbm>> -> memref<3x80xi32, #tpu.memory_space<hbm>>
      tpu.wait_dma2 semaphore(%run_scoped3A_99 : memref<!tpu.dma_semaphore, #tpu.memory_space<semaphore_mem>>) src(%dma_wait3A_115 : memref<3x80xi32, #tpu.memory_space<hbm>>) dst(%arg10 : memref<3x80xi32, #tpu.memory_space<vmem>>)
      tpu.yield
    }) : () -> ()
    %dma_start3A = arith.constant 1 : i32
    %dma_start3A_61 = arith.constant 0 : i32
    %dma_start3A_62 = tpu.memref_slice %arg10[%dma_start3A, %dma_start3A_61] : memref<3x80xi32, #tpu.memory_space<vmem>> -> memref<1x80xi32, #tpu.memory_space<vmem>>
    %dma_start3A_63 = tpu.memref_squeeze %dma_start3A_62 : memref<1x80xi32, #tpu.memory_space<vmem>> -> memref<80xi32, #tpu.memory_space<vmem>>
    %dma_start3A_64 = arith.constant 0 : i32
    %dma_start3A_65 = arith.constant 0 : i32
    %dma_start3A_66 = tpu.memref_slice %arg2[%dma_start3A_64, %dma_start3A_65] : memref<10000x128xf32, #tpu.memory_space<hbm>> -> memref<10000x128xf32, #tpu.memory_space<hbm>>
    tpu.enqueue_indirect_dma source(%dma_start3A_66 : memref<10000x128xf32, #tpu.memory_space<hbm>>) target(%arg12 : memref<80x128xf32, #tpu.memory_space<vmem>>) offsets(%dma_start3A_63 : memref<80xi32, #tpu.memory_space<vmem>>) semaphore(%arg17 : memref<!tpu.dma_semaphore, #tpu.memory_space<semaphore_mem>>)
    %scan3A_67 = arith.constant 0 : i32
    %scan3A_68 = arith.constant 0 : i32
    %scan3A_69 = arith.constant 62 : i32
    %scan3A_70 = arith.addi %scan3A_68, %scan3A_69 : i32
    %scan3A_71 = arith.constant 1 : i32
    scf.for %scan3A_99 = %scan3A_68 to %scan3A_70 step %scan3A_71  : i32 {
      %mul3A_100 = arith.constant 2 : i32
      %mul3A_101 = arith.muli %scan3A_99, %mul3A_100 : i32
      %add3A_102 = arith.addi %mul3A_60, %mul3A_101 : i32
      %add3A_103 = arith.constant 1 : i32
      %add3A_104 = arith.addi %add3A_102, %add3A_103 : i32
      "tpu.region"() ({
        %run_scoped3A_158 = tpu.sem_alloc : memref<!tpu.dma_semaphore, #tpu.memory_space<semaphore_mem>>
        %dma_start3A_159 = arith.constant 0 : i32
        %dma_start3A_160 = arith.constant 0 : i32
        %dma_start3A_161 = tpu.memref_slice %arg3[%add3A_104, %dma_start3A_159, %dma_start3A_160] : memref<4000x3x80xi32, #tpu.memory_space<hbm>> -> memref<1x3x80xi32, #tpu.memory_space<hbm>>
        %dma_start3A_162 = tpu.memref_squeeze %dma_start3A_161 : memref<1x3x80xi32, #tpu.memory_space<hbm>> -> memref<3x80xi32, #tpu.memory_space<hbm>>
        %dma_start3A_163 = arith.constant 0 : i32
        %dma_start3A_164 = arith.constant 0 : i32
        %dma_start3A_165 = tpu.memref_slice %arg3[%add3A_104, %dma_start3A_163, %dma_start3A_164] : memref<4000x3x80xi32, #tpu.memory_space<hbm>> -> memref<1x3x80xi32, #tpu.memory_space<hbm>>
        %dma_start3A_166 = tpu.memref_squeeze %dma_start3A_165 : memref<1x3x80xi32, #tpu.memory_space<hbm>> -> memref<3x80xi32, #tpu.memory_space<hbm>>
        tpu.enqueue_dma source(%dma_start3A_166 : memref<3x80xi32, #tpu.memory_space<hbm>>) target(%arg11 : memref<3x80xi32, #tpu.memory_space<vmem>>) target_semaphore(%run_scoped3A_158 : memref<!tpu.dma_semaphore, #tpu.memory_space<semaphore_mem>>)
        %dma_wait3A_167 = arith.constant 0 : i32
        %dma_wait3A_168 = arith.constant 0 : i32
        %dma_wait3A_169 = tpu.memref_slice %arg3[%add3A_104, %dma_wait3A_167, %dma_wait3A_168] : memref<4000x3x80xi32, #tpu.memory_space<hbm>> -> memref<1x3x80xi32, #tpu.memory_space<hbm>>
        %dma_wait3A_170 = tpu.memref_squeeze %dma_wait3A_169 : memref<1x3x80xi32, #tpu.memory_space<hbm>> -> memref<3x80xi32, #tpu.memory_space<hbm>>
        %dma_wait3A_171 = arith.constant 0 : i32
        %dma_wait3A_172 = arith.constant 0 : i32
        %dma_wait3A_173 = tpu.memref_slice %arg3[%add3A_104, %dma_wait3A_171, %dma_wait3A_172] : memref<4000x3x80xi32, #tpu.memory_space<hbm>> -> memref<1x3x80xi32, #tpu.memory_space<hbm>>
        %dma_wait3A_174 = tpu.memref_squeeze %dma_wait3A_173 : memref<1x3x80xi32, #tpu.memory_space<hbm>> -> memref<3x80xi32, #tpu.memory_space<hbm>>
        tpu.wait_dma2 semaphore(%run_scoped3A_158 : memref<!tpu.dma_semaphore, #tpu.memory_space<semaphore_mem>>) src(%dma_wait3A_174 : memref<3x80xi32, #tpu.memory_space<hbm>>) dst(%arg11 : memref<3x80xi32, #tpu.memory_space<vmem>>)
        tpu.yield
      }) : () -> ()
      %dma_start3A_105 = arith.constant 1 : i32
      %dma_start3A_106 = arith.constant 0 : i32
      %dma_start3A_107 = tpu.memref_slice %arg11[%dma_start3A_105, %dma_start3A_106] : memref<3x80xi32, #tpu.memory_space<vmem>> -> memref<1x80xi32, #tpu.memory_space<vmem>>
      %dma_start3A_108 = tpu.memref_squeeze %dma_start3A_107 : memref<1x80xi32, #tpu.memory_space<vmem>> -> memref<80xi32, #tpu.memory_space<vmem>>
      %dma_start3A_109 = arith.constant 0 : i32
      %dma_start3A_110 = arith.constant 0 : i32
      %dma_start3A_111 = tpu.memref_slice %arg2[%dma_start3A_109, %dma_start3A_110] : memref<10000x128xf32, #tpu.memory_space<hbm>> -> memref<10000x128xf32, #tpu.memory_space<hbm>>
      tpu.enqueue_indirect_dma source(%dma_start3A_111 : memref<10000x128xf32, #tpu.memory_space<hbm>>) target(%arg13 : memref<80x128xf32, #tpu.memory_space<vmem>>) offsets(%dma_start3A_108 : memref<80xi32, #tpu.memory_space<vmem>>) semaphore(%arg18 : memref<!tpu.dma_semaphore, #tpu.memory_space<semaphore_mem>>)
      %dma_wait3A_112 = arith.constant 1 : i32
      %dma_wait3A_113 = arith.constant 0 : i32
      %dma_wait3A_114 = tpu.memref_slice %arg10[%dma_wait3A_112, %dma_wait3A_113] : memref<3x80xi32, #tpu.memory_space<vmem>> -> memref<1x80xi32, #tpu.memory_space<vmem>>
      %dma_wait3A_115 = tpu.memref_squeeze %dma_wait3A_114 : memref<1x80xi32, #tpu.memory_space<vmem>> -> memref<80xi32, #tpu.memory_space<vmem>>
      %dma_wait3A_116 = arith.constant 0 : i32
      %dma_wait3A_117 = arith.constant 0 : i32
      %dma_wait3A_118 = tpu.memref_slice %arg2[%dma_wait3A_116, %dma_wait3A_117] : memref<10000x128xf32, #tpu.memory_space<hbm>> -> memref<10000x128xf32, #tpu.memory_space<hbm>>
      tpu.wait_indirect_dma semaphore(%arg17 : memref<!tpu.dma_semaphore, #tpu.memory_space<semaphore_mem>>) src(%dma_wait3A_118 : memref<10000x128xf32, #tpu.memory_space<hbm>>) dst(%arg12 : memref<80x128xf32, #tpu.memory_space<vmem>>)
      %run_scoped3A_119 = arith.constant 2 : i32
      "tpu.region"() ({
        %run_scoped3A_158 = tpu.sem_alloc : memref<!tpu.dma_semaphore, #tpu.memory_space<semaphore_mem>>
        %dma_start3A_159 = arith.constant 0 : i32
        %dma_start3A_160 = tpu.memref_slice %arg10[%run_scoped3A_119, %dma_start3A_159] : memref<3x80xi32, #tpu.memory_space<vmem>> -> memref<1x80xi32, #tpu.memory_space<vmem>>
        %dma_start3A_161 = tpu.memref_squeeze %dma_start3A_160 : memref<1x80xi32, #tpu.memory_space<vmem>> -> memref<80xi32, #tpu.memory_space<vmem>>
        %dma_start3A_162 = arith.constant 0 : i32
        %dma_start3A_163 = arith.constant 0 : i32
        %dma_start3A_164 = tpu.memref_slice %arg9[%dma_start3A_162, %dma_start3A_163] : memref<16x128xf32, #tpu.memory_space<vmem_shared>> -> memref<16x128xf32, #tpu.memory_space<vmem_shared>>
        tpu.enqueue_indirect_dma source(%dma_start3A_164 : memref<16x128xf32, #tpu.memory_space<vmem_shared>>) target(%arg14 : memref<80x128xf32, #tpu.memory_space<vmem>>) offsets(%dma_start3A_161 : memref<80xi32, #tpu.memory_space<vmem>>) semaphore(%run_scoped3A_158 : memref<!tpu.dma_semaphore, #tpu.memory_space<semaphore_mem>>)
        %dma_wait3A_165 = arith.constant 0 : i32
        %dma_wait3A_166 = tpu.memref_slice %arg10[%run_scoped3A_119, %dma_wait3A_165] : memref<3x80xi32, #tpu.memory_space<vmem>> -> memref<1x80xi32, #tpu.memory_space<vmem>>
        %dma_wait3A_167 = tpu.memref_squeeze %dma_wait3A_166 : memref<1x80xi32, #tpu.memory_space<vmem>> -> memref<80xi32, #tpu.memory_space<vmem>>
        %dma_wait3A_168 = arith.constant 0 : i32
        %dma_wait3A_169 = arith.constant 0 : i32
        %dma_wait3A_170 = tpu.memref_slice %arg9[%dma_wait3A_168, %dma_wait3A_169] : memref<16x128xf32, #tpu.memory_space<vmem_shared>> -> memref<16x128xf32, #tpu.memory_space<vmem_shared>>
        tpu.wait_indirect_dma semaphore(%run_scoped3A_158 : memref<!tpu.dma_semaphore, #tpu.memory_space<semaphore_mem>>) src(%dma_wait3A_170 : memref<16x128xf32, #tpu.memory_space<vmem_shared>>) dst(%arg14 : memref<80x128xf32, #tpu.memory_space<vmem>>)
        tpu.yield
      }) : () -> ()
      %scan3A_120 = arith.constant 0 : i32
      %scan3A_121 = arith.constant 0 : i32
      %scan3A_122 = arith.constant 80 : i32
      %scan3A_123 = arith.addi %scan3A_121, %scan3A_122 : i32
      %scan3A_124 = arith.constant 1 : i32
      scf.for %scan3A_158 = %scan3A_121 to %scan3A_123 step %scan3A_124  : i32 {
        %get3A = arith.index_cast %scan3A_158 : i32 to index
        %get3A_159 = arith.constant 0 : index
        %get3A_160 = tpu.vector_load %arg12[%get3A, %get3A_159] {strides = array<i32>} : memref<80x128xf32, #tpu.memory_space<vmem>>, vector<1x16xf32>,
        %get3A_161 = vector.shape_cast %get3A_160 : vector<1x16xf32> to vector<16xf32>
        %get3A_162 = arith.index_cast %scan3A_158 : i32 to index
        %get3A_163 = arith.constant 0 : index
        %get3A_164 = tpu.vector_load %arg14[%get3A_162, %get3A_163] {strides = array<i32>} : memref<80x128xf32, #tpu.memory_space<vmem>>, vector<1x16xf32>,
        %get3A_165 = vector.shape_cast %get3A_164 : vector<1x16xf32> to vector<16xf32>
        %mul3A_166 = arith.mulf %get3A_161, %get3A_165 : vector<16xf32>
        %swap3A_167 = arith.index_cast %scan3A_158 : i32 to index
        %swap3A_168 = arith.constant 0 : index
        %swap3A_169 = tpu.vector_load %arg12[%swap3A_167, %swap3A_168] {strides = array<i32>} : memref<80x128xf32, #tpu.memory_space<vmem>>, vector<1x16xf32>,
        %swap3A_170 = vector.shape_cast %swap3A_169 : vector<1x16xf32> to vector<16xf32>
        %swap3A_171 = vector.shape_cast %mul3A_166 : vector<16xf32> to vector<1x16xf32>
        tpu.vector_store %arg12[%swap3A_167, %swap3A_168], %swap3A_171 {strides = array<i32>} : memref<80x128xf32, #tpu.memory_space<vmem>>, vector<1x16xf32>,
        %get3A_172 = arith.index_cast %scan3A_158 : i32 to index
        %get3A_173 = arith.constant 16 : index
        %get3A_174 = tpu.vector_load %arg12[%get3A_172, %get3A_173] {strides = array<i32>} : memref<80x128xf32, #tpu.memory_space<vmem>>, vector<1x16xf32>,
        %get3A_175 = vector.shape_cast %get3A_174 : vector<1x16xf32> to vector<16xf32>
        %get3A_176 = arith.index_cast %scan3A_158 : i32 to index
        %get3A_177 = arith.constant 16 : index
        %get3A_178 = tpu.vector_load %arg14[%get3A_176, %get3A_177] {strides = array<i32>} : memref<80x128xf32, #tpu.memory_space<vmem>>, vector<1x16xf32>,
        %get3A_179 = vector.shape_cast %get3A_178 : vector<1x16xf32> to vector<16xf32>
        %mul3A_180 = arith.mulf %get3A_175, %get3A_179 : vector<16xf32>
        %swap3A_181 = arith.index_cast %scan3A_158 : i32 to index
        %swap3A_182 = arith.constant 16 : index
        %swap3A_183 = tpu.vector_load %arg12[%swap3A_181, %swap3A_182] {strides = array<i32>} : memref<80x128xf32, #tpu.memory_space<vmem>>, vector<1x16xf32>,
        %swap3A_184 = vector.shape_cast %swap3A_183 : vector<1x16xf32> to vector<16xf32>
        %swap3A_185 = vector.shape_cast %mul3A_180 : vector<16xf32> to vector<1x16xf32>
        tpu.vector_store %arg12[%swap3A_181, %swap3A_182], %swap3A_185 {strides = array<i32>} : memref<80x128xf32, #tpu.memory_space<vmem>>, vector<1x16xf32>,
        %get3A_186 = arith.index_cast %scan3A_158 : i32 to index
        %get3A_187 = arith.constant 32 : index
        %get3A_188 = tpu.vector_load %arg12[%get3A_186, %get3A_187] {strides = array<i32>} : memref<80x128xf32, #tpu.memory_space<vmem>>, vector<1x16xf32>,
        %get3A_189 = vector.shape_cast %get3A_188 : vector<1x16xf32> to vector<16xf32>
        %get3A_190 = arith.index_cast %scan3A_158 : i32 to index
        %get3A_191 = arith.constant 32 : index
        %get3A_192 = tpu.vector_load %arg14[%get3A_190, %get3A_191] {strides = array<i32>} : memref<80x128xf32, #tpu.memory_space<vmem>>, vector<1x16xf32>,
        %get3A_193 = vector.shape_cast %get3A_192 : vector<1x16xf32> to vector<16xf32>
        %mul3A_194 = arith.mulf %get3A_189, %get3A_193 : vector<16xf32>
        %swap3A_195 = arith.index_cast %scan3A_158 : i32 to index
        %swap3A_196 = arith.constant 32 : index
        %swap3A_197 = tpu.vector_load %arg12[%swap3A_195, %swap3A_196] {strides = array<i32>} : memref<80x128xf32, #tpu.memory_space<vmem>>, vector<1x16xf32>,
        %swap3A_198 = vector.shape_cast %swap3A_197 : vector<1x16xf32> to vector<16xf32>
        %swap3A_199 = vector.shape_cast %mul3A_194 : vector<16xf32> to vector<1x16xf32>
        tpu.vector_store %arg12[%swap3A_195, %swap3A_196], %swap3A_199 {strides = array<i32>} : memref<80x128xf32, #tpu.memory_space<vmem>>, vector<1x16xf32>,
        %get3A_200 = arith.index_cast %scan3A_158 : i32 to index
        %get3A_201 = arith.constant 48 : index
        %get3A_202 = tpu.vector_load %arg12[%get3A_200, %get3A_201] {strides = array<i32>} : memref<80x128xf32, #tpu.memory_space<vmem>>, vector<1x16xf32>,
        %get3A_203 = vector.shape_cast %get3A_202 : vector<1x16xf32> to vector<16xf32>
        %get3A_204 = arith.index_cast %scan3A_158 : i32 to index
        %get3A_205 = arith.constant 48 : index
        %get3A_206 = tpu.vector_load %arg14[%get3A_204, %get3A_205] {strides = array<i32>} : memref<80x128xf32, #tpu.memory_space<vmem>>, vector<1x16xf32>,
        %get3A_207 = vector.shape_cast %get3A_206 : vector<1x16xf32> to vector<16xf32>
        %mul3A_208 = arith.mulf %get3A_203, %get3A_207 : vector<16xf32>
        %swap3A_209 = arith.index_cast %scan3A_158 : i32 to index
        %swap3A_210 = arith.constant 48 : index
        %swap3A_211 = tpu.vector_load %arg12[%swap3A_209, %swap3A_210] {strides = array<i32>} : memref<80x128xf32, #tpu.memory_space<vmem>>, vector<1x16xf32>,
        %swap3A_212 = vector.shape_cast %swap3A_211 : vector<1x16xf32> to vector<16xf32>
        %swap3A_213 = vector.shape_cast %mul3A_208 : vector<16xf32> to vector<1x16xf32>
        tpu.vector_store %arg12[%swap3A_209, %swap3A_210], %swap3A_213 {strides = array<i32>} : memref<80x128xf32, #tpu.memory_space<vmem>>, vector<1x16xf32>,
        %get3A_214 = arith.index_cast %scan3A_158 : i32 to index
        %get3A_215 = arith.constant 64 : index
        %get3A_216 = tpu.vector_load %arg12[%get3A_214, %get3A_215] {strides = array<i32>} : memref<80x128xf32, #tpu.memory_space<vmem>>, vector<1x16xf32>,
        %get3A_217 = vector.shape_cast %get3A_216 : vector<1x16xf32> to vector<16xf32>
        %get3A_218 = arith.index_cast %scan3A_158 : i32 to index
        %get3A_219 = arith.constant 64 : index
        %get3A_220 = tpu.vector_load %arg14[%get3A_218, %get3A_219] {strides = array<i32>} : memref<80x128xf32, #tpu.memory_space<vmem>>, vector<1x16xf32>,
        %get3A_221 = vector.shape_cast %get3A_220 : vector<1x16xf32> to vector<16xf32>
        %mul3A_222 = arith.mulf %get3A_217, %get3A_221 : vector<16xf32>
        %swap3A_223 = arith.index_cast %scan3A_158 : i32 to index
        %swap3A_224 = arith.constant 64 : index
        %swap3A_225 = tpu.vector_load %arg12[%swap3A_223, %swap3A_224] {strides = array<i32>} : memref<80x128xf32, #tpu.memory_space<vmem>>, vector<1x16xf32>,
        %swap3A_226 = vector.shape_cast %swap3A_225 : vector<1x16xf32> to vector<16xf32>
        %swap3A_227 = vector.shape_cast %mul3A_222 : vector<16xf32> to vector<1x16xf32>
        tpu.vector_store %arg12[%swap3A_223, %swap3A_224], %swap3A_227 {strides = array<i32>} : memref<80x128xf32, #tpu.memory_space<vmem>>, vector<1x16xf32>,
        %get3A_228 = arith.index_cast %scan3A_158 : i32 to index
        %get3A_229 = arith.constant 80 : index
        %get3A_230 = tpu.vector_load %arg12[%get3A_228, %get3A_229] {strides = array<i32>} : memref<80x128xf32, #tpu.memory_space<vmem>>, vector<1x16xf32>,
        %get3A_231 = vector.shape_cast %get3A_230 : vector<1x16xf32> to vector<16xf32>
        %get3A_232 = arith.index_cast %scan3A_158 : i32 to index
        %get3A_233 = arith.constant 80 : index
        %get3A_234 = tpu.vector_load %arg14[%get3A_232, %get3A_233] {strides = array<i32>} : memref<80x128xf32, #tpu.memory_space<vmem>>, vector<1x16xf32>,
        %get3A_235 = vector.shape_cast %get3A_234 : vector<1x16xf32> to vector<16xf32>
        %mul3A_236 = arith.mulf %get3A_231, %get3A_235 : vector<16xf32>
        %swap3A_237 = arith.index_cast %scan3A_158 : i32 to index
        %swap3A_238 = arith.constant 80 : index
        %swap3A_239 = tpu.vector_load %arg12[%swap3A_237, %swap3A_238] {strides = array<i32>} : memref<80x128xf32, #tpu.memory_space<vmem>>, vector<1x16xf32>,
        %swap3A_240 = vector.shape_cast %swap3A_239 : vector<1x16xf32> to vector<16xf32>
        %swap3A_241 = vector.shape_cast %mul3A_236 : vector<16xf32> to vector<1x16xf32>
        tpu.vector_store %arg12[%swap3A_237, %swap3A_238], %swap3A_241 {strides = array<i32>} : memref<80x128xf32, #tpu.memory_space<vmem>>, vector<1x16xf32>,
        %get3A_242 = arith.index_cast %scan3A_158 : i32 to index
        %get3A_243 = arith.constant 96 : index
        %get3A_244 = tpu.vector_load %arg12[%get3A_242, %get3A_243] {strides = array<i32>} : memref<80x128xf32, #tpu.memory_space<vmem>>, vector<1x16xf32>,
        %get3A_245 = vector.shape_cast %get3A_244 : vector<1x16xf32> to vector<16xf32>
        %get3A_246 = arith.index_cast %scan3A_158 : i32 to index
        %get3A_247 = arith.constant 96 : index
        %get3A_248 = tpu.vector_load %arg14[%get3A_246, %get3A_247] {strides = array<i32>} : memref<80x128xf32, #tpu.memory_space<vmem>>, vector<1x16xf32>,
        %get3A_249 = vector.shape_cast %get3A_248 : vector<1x16xf32> to vector<16xf32>
        %mul3A_250 = arith.mulf %get3A_245, %get3A_249 : vector<16xf32>
        %swap3A_251 = arith.index_cast %scan3A_158 : i32 to index
        %swap3A_252 = arith.constant 96 : index
        %swap3A_253 = tpu.vector_load %arg12[%swap3A_251, %swap3A_252] {strides = array<i32>} : memref<80x128xf32, #tpu.memory_space<vmem>>, vector<1x16xf32>,
        %swap3A_254 = vector.shape_cast %swap3A_253 : vector<1x16xf32> to vector<16xf32>
        %swap3A_255 = vector.shape_cast %mul3A_250 : vector<16xf32> to vector<1x16xf32>
        tpu.vector_store %arg12[%swap3A_251, %swap3A_252], %swap3A_255 {strides = array<i32>} : memref<80x128xf32, #tpu.memory_space<vmem>>, vector<1x16xf32>,
        %get3A_256 = arith.index_cast %scan3A_158 : i32 to index
        %get3A_257 = arith.constant 112 : index
        %get3A_258 = tpu.vector_load %arg12[%get3A_256, %get3A_257] {strides = array<i32>} : memref<80x128xf32, #tpu.memory_space<vmem>>, vector<1x16xf32>,
        %get3A_259 = vector.shape_cast %get3A_258 : vector<1x16xf32> to vector<16xf32>
        %get3A_260 = arith.index_cast %scan3A_158 : i32 to index
        %get3A_261 = arith.constant 112 : index
        %get3A_262 = tpu.vector_load %arg14[%get3A_260, %get3A_261] {strides = array<i32>} : memref<80x128xf32, #tpu.memory_space<vmem>>, vector<1x16xf32>,
        %get3A_263 = vector.shape_cast %get3A_262 : vector<1x16xf32> to vector<16xf32>
        %mul3A_264 = arith.mulf %get3A_259, %get3A_263 : vector<16xf32>
        %swap3A_265 = arith.index_cast %scan3A_158 : i32 to index
        %swap3A_266 = arith.constant 112 : index
        %swap3A_267 = tpu.vector_load %arg12[%swap3A_265, %swap3A_266] {strides = array<i32>} : memref<80x128xf32, #tpu.memory_space<vmem>>, vector<1x16xf32>,
        %swap3A_268 = vector.shape_cast %swap3A_267 : vector<1x16xf32> to vector<16xf32>
        %swap3A_269 = vector.shape_cast %mul3A_264 : vector<16xf32> to vector<1x16xf32>
        tpu.vector_store %arg12[%swap3A_265, %swap3A_266], %swap3A_269 {strides = array<i32>} : memref<80x128xf32, #tpu.memory_space<vmem>>, vector<1x16xf32>,
      }
      %scan3A_125 = arith.constant 80 : i32
      %run_scoped3A_126 = arith.constant 0 : i32
      "tpu.region"() ({
        %run_scoped3A_158 = tpu.sem_alloc : memref<!tpu.dma_semaphore, #tpu.memory_space<semaphore_mem>>
        %dma_start3A_159 = arith.constant 0 : i32
        %dma_start3A_160 = tpu.memref_slice %arg10[%run_scoped3A_126, %dma_start3A_159] : memref<3x80xi32, #tpu.memory_space<vmem>> -> memref<1x80xi32, #tpu.memory_space<vmem>>
        %dma_start3A_161 = tpu.memref_squeeze %dma_start3A_160 : memref<1x80xi32, #tpu.memory_space<vmem>> -> memref<80xi32, #tpu.memory_space<vmem>>
        %dma_start3A_162 = arith.constant 0 : i32
        %dma_start3A_163 = arith.constant 0 : i32
        %dma_start3A_164 = tpu.memref_slice %arg7[%dma_start3A_162, %dma_start3A_163] : memref<10000x128xf32, #tpu.memory_space<vmem_shared>> -> memref<10000x128xf32, #tpu.memory_space<vmem_shared>>
        tpu.enqueue_indirect_dma source(%arg12 : memref<80x128xf32, #tpu.memory_space<vmem>>) target(%dma_start3A_164 : memref<10000x128xf32, #tpu.memory_space<vmem_shared>>) offsets(%dma_start3A_161 : memref<80xi32, #tpu.memory_space<vmem>>) semaphore(%run_scoped3A_158 : memref<!tpu.dma_semaphore, #tpu.memory_space<semaphore_mem>>) {add = true}
        %dma_wait3A_165 = arith.constant 0 : i32
        %dma_wait3A_166 = tpu.memref_slice %arg10[%run_scoped3A_126, %dma_wait3A_165] : memref<3x80xi32, #tpu.memory_space<vmem>> -> memref<1x80xi32, #tpu.memory_space<vmem>>
        %dma_wait3A_167 = tpu.memref_squeeze %dma_wait3A_166 : memref<1x80xi32, #tpu.memory_space<vmem>> -> memref<80xi32, #tpu.memory_space<vmem>>
        %dma_wait3A_168 = arith.constant 0 : i32
        %dma_wait3A_169 = arith.constant 0 : i32
        %dma_wait3A_170 = tpu.memref_slice %arg7[%dma_wait3A_168, %dma_wait3A_169] : memref<10000x128xf32, #tpu.memory_space<vmem_shared>> -> memref<10000x128xf32, #tpu.memory_space<vmem_shared>>
        tpu.wait_indirect_dma semaphore(%run_scoped3A_158 : memref<!tpu.dma_semaphore, #tpu.memory_space<semaphore_mem>>) src(%arg12 : memref<80x128xf32, #tpu.memory_space<vmem>>) dst(%dma_wait3A_170 : memref<10000x128xf32, #tpu.memory_space<vmem_shared>>)
        tpu.yield
      }) : () -> ()
      %run_scoped3A_127 = arith.constant 0 : i32
      "tpu.region"() ({
        %run_scoped3A_158 = tpu.sem_alloc : memref<!tpu.dma_semaphore, #tpu.memory_space<semaphore_mem>>
        %dma_start3A_159 = arith.constant 0 : i32
        %dma_start3A_160 = tpu.memref_slice %arg10[%run_scoped3A_127, %dma_start3A_159] : memref<3x80xi32, #tpu.memory_space<vmem>> -> memref<1x80xi32, #tpu.memory_space<vmem>>
        %dma_start3A_161 = tpu.memref_squeeze %dma_start3A_160 : memref<1x80xi32, #tpu.memory_space<vmem>> -> memref<80xi32, #tpu.memory_space<vmem>>
        %dma_start3A_162 = arith.constant 0 : i32
        %dma_start3A_163 = tpu.memref_slice %arg8[%dma_start3A_162] : memref<10000xf32, #tpu.memory_space<vmem_shared>> -> memref<10000xf32, #tpu.memory_space<vmem_shared>>
        tpu.enqueue_indirect_dma source(%arg15 : memref<80xf32, #tpu.memory_space<vmem>>) target(%dma_start3A_163 : memref<10000xf32, #tpu.memory_space<vmem_shared>>) offsets(%dma_start3A_161 : memref<80xi32, #tpu.memory_space<vmem>>) semaphore(%run_scoped3A_158 : memref<!tpu.dma_semaphore, #tpu.memory_space<semaphore_mem>>) {add = true}
        %dma_wait3A_164 = arith.constant 0 : i32
        %dma_wait3A_165 = tpu.memref_slice %arg10[%run_scoped3A_127, %dma_wait3A_164] : memref<3x80xi32, #tpu.memory_space<vmem>> -> memref<1x80xi32, #tpu.memory_space<vmem>>
        %dma_wait3A_166 = tpu.memref_squeeze %dma_wait3A_165 : memref<1x80xi32, #tpu.memory_space<vmem>> -> memref<80xi32, #tpu.memory_space<vmem>>
        %dma_wait3A_167 = arith.constant 0 : i32
        %dma_wait3A_168 = tpu.memref_slice %arg8[%dma_wait3A_167] : memref<10000xf32, #tpu.memory_space<vmem_shared>> -> memref<10000xf32, #tpu.memory_space<vmem_shared>>
        tpu.wait_indirect_dma semaphore(%run_scoped3A_158 : memref<!tpu.dma_semaphore, #tpu.memory_space<semaphore_mem>>) src(%arg15 : memref<80xf32, #tpu.memory_space<vmem>>) dst(%dma_wait3A_168 : memref<10000xf32, #tpu.memory_space<vmem_shared>>)
        tpu.yield
      }) : () -> ()
      %add3A_128 = arith.constant 1 : i32
      %add3A_129 = arith.addi %mul3A_101, %add3A_128 : i32
      %add3A_130 = arith.addi %mul3A_60, %add3A_129 : i32
      %add3A_131 = arith.constant 1 : i32
      %add3A_132 = arith.addi %add3A_130, %add3A_131 : i32
      "tpu.region"() ({
        %run_scoped3A_158 = tpu.sem_alloc : memref<!tpu.dma_semaphore, #tpu.memory_space<semaphore_mem>>
        %dma_start3A_159 = arith.constant 0 : i32
        %dma_start3A_160 = arith.constant 0 : i32
        %dma_start3A_161 = tpu.memref_slice %arg3[%add3A_132, %dma_start3A_159, %dma_start3A_160] : memref<4000x3x80xi32, #tpu.memory_space<hbm>> -> memref<1x3x80xi32, #tpu.memory_space<hbm>>
        %dma_start3A_162 = tpu.memref_squeeze %dma_start3A_161 : memref<1x3x80xi32, #tpu.memory_space<hbm>> -> memref<3x80xi32, #tpu.memory_space<hbm>>
        %dma_start3A_163 = arith.constant 0 : i32
        %dma_start3A_164 = arith.constant 0 : i32
        %dma_start3A_165 = tpu.memref_slice %arg3[%add3A_132, %dma_start3A_163, %dma_start3A_164] : memref<4000x3x80xi32, #tpu.memory_space<hbm>> -> memref<1x3x80xi32, #tpu.memory_space<hbm>>
        %dma_start3A_166 = tpu.memref_squeeze %dma_start3A_165 : memref<1x3x80xi32, #tpu.memory_space<hbm>> -> memref<3x80xi32, #tpu.memory_space<hbm>>
        tpu.enqueue_dma source(%dma_start3A_166 : memref<3x80xi32, #tpu.memory_space<hbm>>) target(%arg10 : memref<3x80xi32, #tpu.memory_space<vmem>>) target_semaphore(%run_scoped3A_158 : memref<!tpu.dma_semaphore, #tpu.memory_space<semaphore_mem>>)
        %dma_wait3A_167 = arith.constant 0 : i32
        %dma_wait3A_168 = arith.constant 0 : i32
        %dma_wait3A_169 = tpu.memref_slice %arg3[%add3A_132, %dma_wait3A_167, %dma_wait3A_168] : memref<4000x3x80xi32, #tpu.memory_space<hbm>> -> memref<1x3x80xi32, #tpu.memory_space<hbm>>
        %dma_wait3A_170 = tpu.memref_squeeze %dma_wait3A_169 : memref<1x3x80xi32, #tpu.memory_space<hbm>> -> memref<3x80xi32, #tpu.memory_space<hbm>>
        %dma_wait3A_171 = arith.constant 0 : i32
        %dma_wait3A_172 = arith.constant 0 : i32
        %dma_wait3A_173 = tpu.memref_slice %arg3[%add3A_132, %dma_wait3A_171, %dma_wait3A_172] : memref<4000x3x80xi32, #tpu.memory_space<hbm>> -> memref<1x3x80xi32, #tpu.memory_space<hbm>>
        %dma_wait3A_174 = tpu.memref_squeeze %dma_wait3A_173 : memref<1x3x80xi32, #tpu.memory_space<hbm>> -> memref<3x80xi32, #tpu.memory_space<hbm>>
        tpu.wait_dma2 semaphore(%run_scoped3A_158 : memref<!tpu.dma_semaphore, #tpu.memory_space<semaphore_mem>>) src(%dma_wait3A_174 : memref<3x80xi32, #tpu.memory_space<hbm>>) dst(%arg10 : memref<3x80xi32, #tpu.memory_space<vmem>>)
        tpu.yield
      }) : () -> ()
      %dma_start3A_133 = arith.constant 1 : i32
      %dma_start3A_134 = arith.constant 0 : i32
      %dma_start3A_135 = tpu.memref_slice %arg10[%dma_start3A_133, %dma_start3A_134] : memref<3x80xi32, #tpu.memory_space<vmem>> -> memref<1x80xi32, #tpu.memory_space<vmem>>
      %dma_start3A_136 = tpu.memref_squeeze %dma_start3A_135 : memref<1x80xi32, #tpu.memory_space<vmem>> -> memref<80xi32, #tpu.memory_space<vmem>>
      %dma_start3A_137 = arith.constant 0 : i32
      %dma_start3A_138 = arith.constant 0 : i32
      %dma_start3A_139 = tpu.memref_slice %arg2[%dma_start3A_137, %dma_start3A_138] : memref<10000x128xf32, #tpu.memory_space<hbm>> -> memref<10000x128xf32, #tpu.memory_space<hbm>>
      tpu.enqueue_indirect_dma source(%dma_start3A_139 : memref<10000x128xf32, #tpu.memory_space<hbm>>) target(%arg12 : memref<80x128xf32, #tpu.memory_space<vmem>>) offsets(%dma_start3A_136 : memref<80xi32, #tpu.memory_space<vmem>>) semaphore(%arg17 : memref<!tpu.dma_semaphore, #tpu.memory_space<semaphore_mem>>)
      %dma_wait3A_140 = arith.constant 1 : i32
      %dma_wait3A_141 = arith.constant 0 : i32
      %dma_wait3A_142 = tpu.memref_slice %arg11[%dma_wait3A_140, %dma_wait3A_141] : memref<3x80xi32, #tpu.memory_space<vmem>> -> memref<1x80xi32, #tpu.memory_space<vmem>>
      %dma_wait3A_143 = tpu.memref_squeeze %dma_wait3A_142 : memref<1x80xi32, #tpu.memory_space<vmem>> -> memref<80xi32, #tpu.memory_space<vmem>>
      %dma_wait3A_144 = arith.constant 0 : i32
      %dma_wait3A_145 = arith.constant 0 : i32
      %dma_wait3A_146 = tpu.memref_slice %arg2[%dma_wait3A_144, %dma_wait3A_145] : memref<10000x128xf32, #tpu.memory_space<hbm>> -> memref<10000x128xf32, #tpu.memory_space<hbm>>
      tpu.wait_indirect_dma semaphore(%arg18 : memref<!tpu.dma_semaphore, #tpu.memory_space<semaphore_mem>>) src(%dma_wait3A_146 : memref<10000x128xf32, #tpu.memory_space<hbm>>) dst(%arg13 : memref<80x128xf32, #tpu.memory_space<vmem>>)
      %run_scoped3A_147 = arith.constant 2 : i32
      "tpu.region"() ({
        %run_scoped3A_158 = tpu.sem_alloc : memref<!tpu.dma_semaphore, #tpu.memory_space<semaphore_mem>>
        %dma_start3A_159 = arith.constant 0 : i32
        %dma_start3A_160 = tpu.memref_slice %arg11[%run_scoped3A_147, %dma_start3A_159] : memref<3x80xi32, #tpu.memory_space<vmem>> -> memref<1x80xi32, #tpu.memory_space<vmem>>
        %dma_start3A_161 = tpu.memref_squeeze %dma_start3A_160 : memref<1x80xi32, #tpu.memory_space<vmem>> -> memref<80xi32, #tpu.memory_space<vmem>>
        %dma_start3A_162 = arith.constant 0 : i32
        %dma_start3A_163 = arith.constant 0 : i32
        %dma_start3A_164 = tpu.memref_slice %arg9[%dma_start3A_162, %dma_start3A_163] : memref<16x128xf32, #tpu.memory_space<vmem_shared>> -> memref<16x128xf32, #tpu.memory_space<vmem_shared>>
        tpu.enqueue_indirect_dma source(%dma_start3A_164 : memref<16x128xf32, #tpu.memory_space<vmem_shared>>) target(%arg14 : memref<80x128xf32, #tpu.memory_space<vmem>>) offsets(%dma_start3A_161 : memref<80xi32, #tpu.memory_space<vmem>>) semaphore(%run_scoped3A_158 : memref<!tpu.dma_semaphore, #tpu.memory_space<semaphore_mem>>)
        %dma_wait3A_165 = arith.constant 0 : i32
        %dma_wait3A_166 = tpu.memref_slice %arg11[%run_scoped3A_147, %dma_wait3A_165] : memref<3x80xi32, #tpu.memory_space<vmem>> -> memref<1x80xi32, #tpu.memory_space<vmem>>
        %dma_wait3A_167 = tpu.memref_squeeze %dma_wait3A_166 : memref<1x80xi32, #tpu.memory_space<vmem>> -> memref<80xi32, #tpu.memory_space<vmem>>
        %dma_wait3A_168 = arith.constant 0 : i32
        %dma_wait3A_169 = arith.constant 0 : i32
        %dma_wait3A_170 = tpu.memref_slice %arg9[%dma_wait3A_168, %dma_wait3A_169] : memref<16x128xf32, #tpu.memory_space<vmem_shared>> -> memref<16x128xf32, #tpu.memory_space<vmem_shared>>
        tpu.wait_indirect_dma semaphore(%run_scoped3A_158 : memref<!tpu.dma_semaphore, #tpu.memory_space<semaphore_mem>>) src(%dma_wait3A_170 : memref<16x128xf32, #tpu.memory_space<vmem_shared>>) dst(%arg14 : memref<80x128xf32, #tpu.memory_space<vmem>>)
        tpu.yield
      }) : () -> ()
      %scan3A_148 = arith.constant 0 : i32
      %scan3A_149 = arith.constant 0 : i32
      %scan3A_150 = arith.constant 80 : i32
      %scan3A_151 = arith.addi %scan3A_149, %scan3A_150 : i32
      %scan3A_152 = arith.constant 1 : i32
      scf.for %scan3A_158 = %scan3A_149 to %scan3A_151 step %scan3A_152  : i32 {
        %get3A = arith.index_cast %scan3A_158 : i32 to index
        %get3A_159 = arith.constant 0 : index
        %get3A_160 = tpu.vector_load %arg13[%get3A, %get3A_159] {strides = array<i32>} : memref<80x128xf32, #tpu.memory_space<vmem>>, vector<1x16xf32>,
        %get3A_161 = vector.shape_cast %get3A_160 : vector<1x16xf32> to vector<16xf32>
        %get3A_162 = arith.index_cast %scan3A_158 : i32 to index
        %get3A_163 = arith.constant 0 : index
        %get3A_164 = tpu.vector_load %arg14[%get3A_162, %get3A_163] {strides = array<i32>} : memref<80x128xf32, #tpu.memory_space<vmem>>, vector<1x16xf32>,
        %get3A_165 = vector.shape_cast %get3A_164 : vector<1x16xf32> to vector<16xf32>
        %mul3A_166 = arith.mulf %get3A_161, %get3A_165 : vector<16xf32>
        %swap3A_167 = arith.index_cast %scan3A_158 : i32 to index
        %swap3A_168 = arith.constant 0 : index
        %swap3A_169 = tpu.vector_load %arg13[%swap3A_167, %swap3A_168] {strides = array<i32>} : memref<80x128xf32, #tpu.memory_space<vmem>>, vector<1x16xf32>,
        %swap3A_170 = vector.shape_cast %swap3A_169 : vector<1x16xf32> to vector<16xf32>
        %swap3A_171 = vector.shape_cast %mul3A_166 : vector<16xf32> to vector<1x16xf32>
        tpu.vector_store %arg13[%swap3A_167, %swap3A_168], %swap3A_171 {strides = array<i32>} : memref<80x128xf32, #tpu.memory_space<vmem>>, vector<1x16xf32>,
        %get3A_172 = arith.index_cast %scan3A_158 : i32 to index
        %get3A_173 = arith.constant 16 : index
        %get3A_174 = tpu.vector_load %arg13[%get3A_172, %get3A_173] {strides = array<i32>} : memref<80x128xf32, #tpu.memory_space<vmem>>, vector<1x16xf32>,
        %get3A_175 = vector.shape_cast %get3A_174 : vector<1x16xf32> to vector<16xf32>
        %get3A_176 = arith.index_cast %scan3A_158 : i32 to index
        %get3A_177 = arith.constant 16 : index
        %get3A_178 = tpu.vector_load %arg14[%get3A_176, %get3A_177] {strides = array<i32>} : memref<80x128xf32, #tpu.memory_space<vmem>>, vector<1x16xf32>,
        %get3A_179 = vector.shape_cast %get3A_178 : vector<1x16xf32> to vector<16xf32>
        %mul3A_180 = arith.mulf %get3A_175, %get3A_179 : vector<16xf32>
        %swap3A_181 = arith.index_cast %scan3A_158 : i32 to index
        %swap3A_182 = arith.constant 16 : index
        %swap3A_183 = tpu.vector_load %arg13[%swap3A_181, %swap3A_182] {strides = array<i32>} : memref<80x128xf32, #tpu.memory_space<vmem>>, vector<1x16xf32>,
        %swap3A_184 = vector.shape_cast %swap3A_183 : vector<1x16xf32> to vector<16xf32>
        %swap3A_185 = vector.shape_cast %mul3A_180 : vector<16xf32> to vector<1x16xf32>
        tpu.vector_store %arg13[%swap3A_181, %swap3A_182], %swap3A_185 {strides = array<i32>} : memref<80x128xf32, #tpu.memory_space<vmem>>, vector<1x16xf32>,
        %get3A_186 = arith.index_cast %scan3A_158 : i32 to index
        %get3A_187 = arith.constant 32 : index
        %get3A_188 = tpu.vector_load %arg13[%get3A_186, %get3A_187] {strides = array<i32>} : memref<80x128xf32, #tpu.memory_space<vmem>>, vector<1x16xf32>,
        %get3A_189 = vector.shape_cast %get3A_188 : vector<1x16xf32> to vector<16xf32>
        %get3A_190 = arith.index_cast %scan3A_158 : i32 to index
        %get3A_191 = arith.constant 32 : index
        %get3A_192 = tpu.vector_load %arg14[%get3A_190, %get3A_191] {strides = array<i32>} : memref<80x128xf32, #tpu.memory_space<vmem>>, vector<1x16xf32>,
        %get3A_193 = vector.shape_cast %get3A_192 : vector<1x16xf32> to vector<16xf32>
        %mul3A_194 = arith.mulf %get3A_189, %get3A_193 : vector<16xf32>
        %swap3A_195 = arith.index_cast %scan3A_158 : i32 to index
        %swap3A_196 = arith.constant 32 : index
        %swap3A_197 = tpu.vector_load %arg13[%swap3A_195, %swap3A_196] {strides = array<i32>} : memref<80x128xf32, #tpu.memory_space<vmem>>, vector<1x16xf32>,
        %swap3A_198 = vector.shape_cast %swap3A_197 : vector<1x16xf32> to vector<16xf32>
        %swap3A_199 = vector.shape_cast %mul3A_194 : vector<16xf32> to vector<1x16xf32>
        tpu.vector_store %arg13[%swap3A_195, %swap3A_196], %swap3A_199 {strides = array<i32>} : memref<80x128xf32, #tpu.memory_space<vmem>>, vector<1x16xf32>,
        %get3A_200 = arith.index_cast %scan3A_158 : i32 to index
        %get3A_201 = arith.constant 48 : index
        %get3A_202 = tpu.vector_load %arg13[%get3A_200, %get3A_201] {strides = array<i32>} : memref<80x128xf32, #tpu.memory_space<vmem>>, vector<1x16xf32>,
        %get3A_203 = vector.shape_cast %get3A_202 : vector<1x16xf32> to vector<16xf32>
        %get3A_204 = arith.index_cast %scan3A_158 : i32 to index
        %get3A_205 = arith.constant 48 : index
        %get3A_206 = tpu.vector_load %arg14[%get3A_204, %get3A_205] {strides = array<i32>} : memref<80x128xf32, #tpu.memory_space<vmem>>, vector<1x16xf32>,
        %get3A_207 = vector.shape_cast %get3A_206 : vector<1x16xf32> to vector<16xf32>
        %mul3A_208 = arith.mulf %get3A_203, %get3A_207 : vector<16xf32>
        %swap3A_209 = arith.index_cast %scan3A_158 : i32 to index
        %swap3A_210 = arith.constant 48 : index
        %swap3A_211 = tpu.vector_load %arg13[%swap3A_209, %swap3A_210] {strides = array<i32>} : memref<80x128xf32, #tpu.memory_space<vmem>>, vector<1x16xf32>,
        %swap3A_212 = vector.shape_cast %swap3A_211 : vector<1x16xf32> to vector<16xf32>
        %swap3A_213 = vector.shape_cast %mul3A_208 : vector<16xf32> to vector<1x16xf32>
        tpu.vector_store %arg13[%swap3A_209, %swap3A_210], %swap3A_213 {strides = array<i32>} : memref<80x128xf32, #tpu.memory_space<vmem>>, vector<1x16xf32>,
        %get3A_214 = arith.index_cast %scan3A_158 : i32 to index
        %get3A_215 = arith.constant 64 : index
        %get3A_216 = tpu.vector_load %arg13[%get3A_214, %get3A_215] {strides = array<i32>} : memref<80x128xf32, #tpu.memory_space<vmem>>, vector<1x16xf32>,
        %get3A_217 = vector.shape_cast %get3A_216 : vector<1x16xf32> to vector<16xf32>
        %get3A_218 = arith.index_cast %scan3A_158 : i32 to index
        %get3A_219 = arith.constant 64 : index
        %get3A_220 = tpu.vector_load %arg14[%get3A_218, %get3A_219] {strides = array<i32>} : memref<80x128xf32, #tpu.memory_space<vmem>>, vector<1x16xf32>,
        %get3A_221 = vector.shape_cast %get3A_220 : vector<1x16xf32> to vector<16xf32>
        %mul3A_222 = arith.mulf %get3A_217, %get3A_221 : vector<16xf32>
        %swap3A_223 = arith.index_cast %scan3A_158 : i32 to index
        %swap3A_224 = arith.constant 64 : index
        %swap3A_225 = tpu.vector_load %arg13[%swap3A_223, %swap3A_224] {strides = array<i32>} : memref<80x128xf32, #tpu.memory_space<vmem>>, vector<1x16xf32>,
        %swap3A_226 = vector.shape_cast %swap3A_225 : vector<1x16xf32> to vector<16xf32>
        %swap3A_227 = vector.shape_cast %mul3A_222 : vector<16xf32> to vector<1x16xf32>
        tpu.vector_store %arg13[%swap3A_223, %swap3A_224], %swap3A_227 {strides = array<i32>} : memref<80x128xf32, #tpu.memory_space<vmem>>, vector<1x16xf32>,
        %get3A_228 = arith.index_cast %scan3A_158 : i32 to index
        %get3A_229 = arith.constant 80 : index
        %get3A_230 = tpu.vector_load %arg13[%get3A_228, %get3A_229] {strides = array<i32>} : memref<80x128xf32, #tpu.memory_space<vmem>>, vector<1x16xf32>,
        %get3A_231 = vector.shape_cast %get3A_230 : vector<1x16xf32> to vector<16xf32>
        %get3A_232 = arith.index_cast %scan3A_158 : i32 to index
        %get3A_233 = arith.constant 80 : index
        %get3A_234 = tpu.vector_load %arg14[%get3A_232, %get3A_233] {strides = array<i32>} : memref<80x128xf32, #tpu.memory_space<vmem>>, vector<1x16xf32>,
        %get3A_235 = vector.shape_cast %get3A_234 : vector<1x16xf32> to vector<16xf32>
        %mul3A_236 = arith.mulf %get3A_231, %get3A_235 : vector<16xf32>
        %swap3A_237 = arith.index_cast %scan3A_158 : i32 to index
        %swap3A_238 = arith.constant 80 : index
        %swap3A_239 = tpu.vector_load %arg13[%swap3A_237, %swap3A_238] {strides = array<i32>} : memref<80x128xf32, #tpu.memory_space<vmem>>, vector<1x16xf32>,
        %swap3A_240 = vector.shape_cast %swap3A_239 : vector<1x16xf32> to vector<16xf32>
        %swap3A_241 = vector.shape_cast %mul3A_236 : vector<16xf32> to vector<1x16xf32>
        tpu.vector_store %arg13[%swap3A_237, %swap3A_238], %swap3A_241 {strides = array<i32>} : memref<80x128xf32, #tpu.memory_space<vmem>>, vector<1x16xf32>,
        %get3A_242 = arith.index_cast %scan3A_158 : i32 to index
        %get3A_243 = arith.constant 96 : index
        %get3A_244 = tpu.vector_load %arg13[%get3A_242, %get3A_243] {strides = array<i32>} : memref<80x128xf32, #tpu.memory_space<vmem>>, vector<1x16xf32>,
        %get3A_245 = vector.shape_cast %get3A_244 : vector<1x16xf32> to vector<16xf32>
        %get3A_246 = arith.index_cast %scan3A_158 : i32 to index
        %get3A_247 = arith.constant 96 : index
        %get3A_248 = tpu.vector_load %arg14[%get3A_246, %get3A_247] {strides = array<i32>} : memref<80x128xf32, #tpu.memory_space<vmem>>, vector<1x16xf32>,
        %get3A_249 = vector.shape_cast %get3A_248 : vector<1x16xf32> to vector<16xf32>
        %mul3A_250 = arith.mulf %get3A_245, %get3A_249 : vector<16xf32>
        %swap3A_251 = arith.index_cast %scan3A_158 : i32 to index
        %swap3A_252 = arith.constant 96 : index
        %swap3A_253 = tpu.vector_load %arg13[%swap3A_251, %swap3A_252] {strides = array<i32>} : memref<80x128xf32, #tpu.memory_space<vmem>>, vector<1x16xf32>,
        %swap3A_254 = vector.shape_cast %swap3A_253 : vector<1x16xf32> to vector<16xf32>
        %swap3A_255 = vector.shape_cast %mul3A_250 : vector<16xf32> to vector<1x16xf32>
        tpu.vector_store %arg13[%swap3A_251, %swap3A_252], %swap3A_255 {strides = array<i32>} : memref<80x128xf32, #tpu.memory_space<vmem>>, vector<1x16xf32>,
        %get3A_256 = arith.index_cast %scan3A_158 : i32 to index
        %get3A_257 = arith.constant 112 : index
        %get3A_258 = tpu.vector_load %arg13[%get3A_256, %get3A_257] {strides = array<i32>} : memref<80x128xf32, #tpu.memory_space<vmem>>, vector<1x16xf32>,
        %get3A_259 = vector.shape_cast %get3A_258 : vector<1x16xf32> to vector<16xf32>
        %get3A_260 = arith.index_cast %scan3A_158 : i32 to index
        %get3A_261 = arith.constant 112 : index
        %get3A_262 = tpu.vector_load %arg14[%get3A_260, %get3A_261] {strides = array<i32>} : memref<80x128xf32, #tpu.memory_space<vmem>>, vector<1x16xf32>,
        %get3A_263 = vector.shape_cast %get3A_262 : vector<1x16xf32> to vector<16xf32>
        %mul3A_264 = arith.mulf %get3A_259, %get3A_263 : vector<16xf32>
        %swap3A_265 = arith.index_cast %scan3A_158 : i32 to index
        %swap3A_266 = arith.constant 112 : index
        %swap3A_267 = tpu.vector_load %arg13[%swap3A_265, %swap3A_266] {strides = array<i32>} : memref<80x128xf32, #tpu.memory_space<vmem>>, vector<1x16xf32>,
        %swap3A_268 = vector.shape_cast %swap3A_267 : vector<1x16xf32> to vector<16xf32>
        %swap3A_269 = vector.shape_cast %mul3A_264 : vector<16xf32> to vector<1x16xf32>
        tpu.vector_store %arg13[%swap3A_265, %swap3A_266], %swap3A_269 {strides = array<i32>} : memref<80x128xf32, #tpu.memory_space<vmem>>, vector<1x16xf32>,
      }
      %scan3A_153 = arith.constant 80 : i32
      %run_scoped3A_154 = arith.constant 0 : i32
      "tpu.region"() ({
        %run_scoped3A_158 = tpu.sem_alloc : memref<!tpu.dma_semaphore, #tpu.memory_space<semaphore_mem>>
        %dma_start3A_159 = arith.constant 0 : i32
        %dma_start3A_160 = tpu.memref_slice %arg11[%run_scoped3A_154, %dma_start3A_159] : memref<3x80xi32, #tpu.memory_space<vmem>> -> memref<1x80xi32, #tpu.memory_space<vmem>>
        %dma_start3A_161 = tpu.memref_squeeze %dma_start3A_160 : memref<1x80xi32, #tpu.memory_space<vmem>> -> memref<80xi32, #tpu.memory_space<vmem>>
        %dma_start3A_162 = arith.constant 0 : i32
        %dma_start3A_163 = arith.constant 0 : i32
        %dma_start3A_164 = tpu.memref_slice %arg7[%dma_start3A_162, %dma_start3A_163] : memref<10000x128xf32, #tpu.memory_space<vmem_shared>> -> memref<10000x128xf32, #tpu.memory_space<vmem_shared>>
        tpu.enqueue_indirect_dma source(%arg13 : memref<80x128xf32, #tpu.memory_space<vmem>>) target(%dma_start3A_164 : memref<10000x128xf32, #tpu.memory_space<vmem_shared>>) offsets(%dma_start3A_161 : memref<80xi32, #tpu.memory_space<vmem>>) semaphore(%run_scoped3A_158 : memref<!tpu.dma_semaphore, #tpu.memory_space<semaphore_mem>>) {add = true}
        %dma_wait3A_165 = arith.constant 0 : i32
        %dma_wait3A_166 = tpu.memref_slice %arg11[%run_scoped3A_154, %dma_wait3A_165] : memref<3x80xi32, #tpu.memory_space<vmem>> -> memref<1x80xi32, #tpu.memory_space<vmem>>
        %dma_wait3A_167 = tpu.memref_squeeze %dma_wait3A_166 : memref<1x80xi32, #tpu.memory_space<vmem>> -> memref<80xi32, #tpu.memory_space<vmem>>
        %dma_wait3A_168 = arith.constant 0 : i32
        %dma_wait3A_169 = arith.constant 0 : i32
        %dma_wait3A_170 = tpu.memref_slice %arg7[%dma_wait3A_168, %dma_wait3A_169] : memref<10000x128xf32, #tpu.memory_space<vmem_shared>> -> memref<10000x128xf32, #tpu.memory_space<vmem_shared>>
        tpu.wait_indirect_dma semaphore(%run_scoped3A_158 : memref<!tpu.dma_semaphore, #tpu.memory_space<semaphore_mem>>) src(%arg13 : memref<80x128xf32, #tpu.memory_space<vmem>>) dst(%dma_wait3A_170 : memref<10000x128xf32, #tpu.memory_space<vmem_shared>>)
        tpu.yield
      }) : () -> ()
      %run_scoped3A_155 = arith.constant 0 : i32
      "tpu.region"() ({
        %run_scoped3A_158 = tpu.sem_alloc : memref<!tpu.dma_semaphore, #tpu.memory_space<semaphore_mem>>
        %dma_start3A_159 = arith.constant 0 : i32
        %dma_start3A_160 = tpu.memref_slice %arg11[%run_scoped3A_155, %dma_start3A_159] : memref<3x80xi32, #tpu.memory_space<vmem>> -> memref<1x80xi32, #tpu.memory_space<vmem>>
        %dma_start3A_161 = tpu.memref_squeeze %dma_start3A_160 : memref<1x80xi32, #tpu.memory_space<vmem>> -> memref<80xi32, #tpu.memory_space<vmem>>
        %dma_start3A_162 = arith.constant 0 : i32
        %dma_start3A_163 = tpu.memref_slice %arg8[%dma_start3A_162] : memref<10000xf32, #tpu.memory_space<vmem_shared>> -> memref<10000xf32, #tpu.memory_space<vmem_shared>>
        tpu.enqueue_indirect_dma source(%arg15 : memref<80xf32, #tpu.memory_space<vmem>>) target(%dma_start3A_163 : memref<10000xf32, #tpu.memory_space<vmem_shared>>) offsets(%dma_start3A_161 : memref<80xi32, #tpu.memory_space<vmem>>) semaphore(%run_scoped3A_158 : memref<!tpu.dma_semaphore, #tpu.memory_space<semaphore_mem>>) {add = true}
        %dma_wait3A_164 = arith.constant 0 : i32
        %dma_wait3A_165 = tpu.memref_slice %arg11[%run_scoped3A_155, %dma_wait3A_164] : memref<3x80xi32, #tpu.memory_space<vmem>> -> memref<1x80xi32, #tpu.memory_space<vmem>>
        %dma_wait3A_166 = tpu.memref_squeeze %dma_wait3A_165 : memref<1x80xi32, #tpu.memory_space<vmem>> -> memref<80xi32, #tpu.memory_space<vmem>>
        %dma_wait3A_167 = arith.constant 0 : i32
        %dma_wait3A_168 = tpu.memref_slice %arg8[%dma_wait3A_167] : memref<10000xf32, #tpu.memory_space<vmem_shared>> -> memref<10000xf32, #tpu.memory_space<vmem_shared>>
        tpu.wait_indirect_dma semaphore(%run_scoped3A_158 : memref<!tpu.dma_semaphore, #tpu.memory_space<semaphore_mem>>) src(%arg15 : memref<80xf32, #tpu.memory_space<vmem>>) dst(%dma_wait3A_168 : memref<10000xf32, #tpu.memory_space<vmem_shared>>)
        tpu.yield
      }) : () -> ()
      %add3A_156 = arith.constant 1 : i32
      %add3A_157 = arith.addi %add3A_129, %add3A_156 : i32
    }
    %scan3A_72 = arith.constant 62 : i32
    %dma_wait3A = arith.constant 1 : i32
    %dma_wait3A_73 = arith.constant 0 : i32
    %dma_wait3A_74 = tpu.memref_slice %arg10[%dma_wait3A, %dma_wait3A_73] : memref<3x80xi32, #tpu.memory_space<vmem>> -> memref<1x80xi32, #tpu.memory_space<vmem>>
    %dma_wait3A_75 = tpu.memref_squeeze %dma_wait3A_74 : memref<1x80xi32, #tpu.memory_space<vmem>> -> memref<80xi32, #tpu.memory_space<vmem>>
    %dma_wait3A_76 = arith.constant 0 : i32
    %dma_wait3A_77 = arith.constant 0 : i32
    %dma_wait3A_78 = tpu.memref_slice %arg2[%dma_wait3A_76, %dma_wait3A_77] : memref<10000x128xf32, #tpu.memory_space<hbm>> -> memref<10000x128xf32, #tpu.memory_space<hbm>>
    tpu.wait_indirect_dma semaphore(%arg17 : memref<!tpu.dma_semaphore, #tpu.memory_space<semaphore_mem>>) src(%dma_wait3A_78 : memref<10000x128xf32, #tpu.memory_space<hbm>>) dst(%arg12 : memref<80x128xf32, #tpu.memory_space<vmem>>)
    %run_scoped3A = arith.constant 2 : i32
    "tpu.region"() ({
      %run_scoped3A_99 = tpu.sem_alloc : memref<!tpu.dma_semaphore, #tpu.memory_space<semaphore_mem>>
      %dma_start3A_100 = arith.constant 0 : i32
      %dma_start3A_101 = tpu.memref_slice %arg10[%run_scoped3A, %dma_start3A_100] : memref<3x80xi32, #tpu.memory_space<vmem>> -> memref<1x80xi32, #tpu.memory_space<vmem>>
      %dma_start3A_102 = tpu.memref_squeeze %dma_start3A_101 : memref<1x80xi32, #tpu.memory_space<vmem>> -> memref<80xi32, #tpu.memory_space<vmem>>
      %dma_start3A_103 = arith.constant 0 : i32
      %dma_start3A_104 = arith.constant 0 : i32
      %dma_start3A_105 = tpu.memref_slice %arg9[%dma_start3A_103, %dma_start3A_104] : memref<16x128xf32, #tpu.memory_space<vmem_shared>> -> memref<16x128xf32, #tpu.memory_space<vmem_shared>>
      tpu.enqueue_indirect_dma source(%dma_start3A_105 : memref<16x128xf32, #tpu.memory_space<vmem_shared>>) target(%arg14 : memref<80x128xf32, #tpu.memory_space<vmem>>) offsets(%dma_start3A_102 : memref<80xi32, #tpu.memory_space<vmem>>) semaphore(%run_scoped3A_99 : memref<!tpu.dma_semaphore, #tpu.memory_space<semaphore_mem>>)
      %dma_wait3A_106 = arith.constant 0 : i32
      %dma_wait3A_107 = tpu.memref_slice %arg10[%run_scoped3A, %dma_wait3A_106] : memref<3x80xi32, #tpu.memory_space<vmem>> -> memref<1x80xi32, #tpu.memory_space<vmem>>
      %dma_wait3A_108 = tpu.memref_squeeze %dma_wait3A_107 : memref<1x80xi32, #tpu.memory_space<vmem>> -> memref<80xi32, #tpu.memory_space<vmem>>
      %dma_wait3A_109 = arith.constant 0 : i32
      %dma_wait3A_110 = arith.constant 0 : i32
      %dma_wait3A_111 = tpu.memref_slice %arg9[%dma_wait3A_109, %dma_wait3A_110] : memref<16x128xf32, #tpu.memory_space<vmem_shared>> -> memref<16x128xf32, #tpu.memory_space<vmem_shared>>
      tpu.wait_indirect_dma semaphore(%run_scoped3A_99 : memref<!tpu.dma_semaphore, #tpu.memory_space<semaphore_mem>>) src(%dma_wait3A_111 : memref<16x128xf32, #tpu.memory_space<vmem_shared>>) dst(%arg14 : memref<80x128xf32, #tpu.memory_space<vmem>>)
      tpu.yield
    }) : () -> ()
    %scan3A_79 = arith.constant 0 : i32
    %scan3A_80 = arith.constant 0 : i32
    %scan3A_81 = arith.constant 80 : i32
    %scan3A_82 = arith.addi %scan3A_80, %scan3A_81 : i32
    %scan3A_83 = arith.constant 1 : i32
    scf.for %scan3A_99 = %scan3A_80 to %scan3A_82 step %scan3A_83  : i32 {
      %get3A = arith.index_cast %scan3A_99 : i32 to index
      %get3A_100 = arith.constant 0 : index
      %get3A_101 = tpu.vector_load %arg12[%get3A, %get3A_100] {strides = array<i32>} : memref<80x128xf32, #tpu.memory_space<vmem>>, vector<1x16xf32>,
      %get3A_102 = vector.shape_cast %get3A_101 : vector<1x16xf32> to vector<16xf32>
      %get3A_103 = arith.index_cast %scan3A_99 : i32 to index
      %get3A_104 = arith.constant 0 : index
      %get3A_105 = tpu.vector_load %arg14[%get3A_103, %get3A_104] {strides = array<i32>} : memref<80x128xf32, #tpu.memory_space<vmem>>, vector<1x16xf32>,
      %get3A_106 = vector.shape_cast %get3A_105 : vector<1x16xf32> to vector<16xf32>
      %mul3A_107 = arith.mulf %get3A_102, %get3A_106 : vector<16xf32>
      %swap3A_108 = arith.index_cast %scan3A_99 : i32 to index
      %swap3A_109 = arith.constant 0 : index
      %swap3A_110 = tpu.vector_load %arg12[%swap3A_108, %swap3A_109] {strides = array<i32>} : memref<80x128xf32, #tpu.memory_space<vmem>>, vector<1x16xf32>,
      %swap3A_111 = vector.shape_cast %swap3A_110 : vector<1x16xf32> to vector<16xf32>
      %swap3A_112 = vector.shape_cast %mul3A_107 : vector<16xf32> to vector<1x16xf32>
      tpu.vector_store %arg12[%swap3A_108, %swap3A_109], %swap3A_112 {strides = array<i32>} : memref<80x128xf32, #tpu.memory_space<vmem>>, vector<1x16xf32>,
      %get3A_113 = arith.index_cast %scan3A_99 : i32 to index
      %get3A_114 = arith.constant 16 : index
      %get3A_115 = tpu.vector_load %arg12[%get3A_113, %get3A_114] {strides = array<i32>} : memref<80x128xf32, #tpu.memory_space<vmem>>, vector<1x16xf32>,
      %get3A_116 = vector.shape_cast %get3A_115 : vector<1x16xf32> to vector<16xf32>
      %get3A_117 = arith.index_cast %scan3A_99 : i32 to index
      %get3A_118 = arith.constant 16 : index
      %get3A_119 = tpu.vector_load %arg14[%get3A_117, %get3A_118] {strides = array<i32>} : memref<80x128xf32, #tpu.memory_space<vmem>>, vector<1x16xf32>,
      %get3A_120 = vector.shape_cast %get3A_119 : vector<1x16xf32> to vector<16xf32>
      %mul3A_121 = arith.mulf %get3A_116, %get3A_120 : vector<16xf32>
      %swap3A_122 = arith.index_cast %scan3A_99 : i32 to index
      %swap3A_123 = arith.constant 16 : index
      %swap3A_124 = tpu.vector_load %arg12[%swap3A_122, %swap3A_123] {strides = array<i32>} : memref<80x128xf32, #tpu.memory_space<vmem>>, vector<1x16xf32>,
      %swap3A_125 = vector.shape_cast %swap3A_124 : vector<1x16xf32> to vector<16xf32>
      %swap3A_126 = vector.shape_cast %mul3A_121 : vector<16xf32> to vector<1x16xf32>
      tpu.vector_store %arg12[%swap3A_122, %swap3A_123], %swap3A_126 {strides = array<i32>} : memref<80x128xf32, #tpu.memory_space<vmem>>, vector<1x16xf32>,
      %get3A_127 = arith.index_cast %scan3A_99 : i32 to index
      %get3A_128 = arith.constant 32 : index
      %get3A_129 = tpu.vector_load %arg12[%get3A_127, %get3A_128] {strides = array<i32>} : memref<80x128xf32, #tpu.memory_space<vmem>>, vector<1x16xf32>,
      %get3A_130 = vector.shape_cast %get3A_129 : vector<1x16xf32> to vector<16xf32>
      %get3A_131 = arith.index_cast %scan3A_99 : i32 to index
      %get3A_132 = arith.constant 32 : index
      %get3A_133 = tpu.vector_load %arg14[%get3A_131, %get3A_132] {strides = array<i32>} : memref<80x128xf32, #tpu.memory_space<vmem>>, vector<1x16xf32>,
      %get3A_134 = vector.shape_cast %get3A_133 : vector<1x16xf32> to vector<16xf32>
      %mul3A_135 = arith.mulf %get3A_130, %get3A_134 : vector<16xf32>
      %swap3A_136 = arith.index_cast %scan3A_99 : i32 to index
      %swap3A_137 = arith.constant 32 : index
      %swap3A_138 = tpu.vector_load %arg12[%swap3A_136, %swap3A_137] {strides = array<i32>} : memref<80x128xf32, #tpu.memory_space<vmem>>, vector<1x16xf32>,
      %swap3A_139 = vector.shape_cast %swap3A_138 : vector<1x16xf32> to vector<16xf32>
      %swap3A_140 = vector.shape_cast %mul3A_135 : vector<16xf32> to vector<1x16xf32>
      tpu.vector_store %arg12[%swap3A_136, %swap3A_137], %swap3A_140 {strides = array<i32>} : memref<80x128xf32, #tpu.memory_space<vmem>>, vector<1x16xf32>,
      %get3A_141 = arith.index_cast %scan3A_99 : i32 to index
      %get3A_142 = arith.constant 48 : index
      %get3A_143 = tpu.vector_load %arg12[%get3A_141, %get3A_142] {strides = array<i32>} : memref<80x128xf32, #tpu.memory_space<vmem>>, vector<1x16xf32>,
      %get3A_144 = vector.shape_cast %get3A_143 : vector<1x16xf32> to vector<16xf32>
      %get3A_145 = arith.index_cast %scan3A_99 : i32 to index
      %get3A_146 = arith.constant 48 : index
      %get3A_147 = tpu.vector_load %arg14[%get3A_145, %get3A_146] {strides = array<i32>} : memref<80x128xf32, #tpu.memory_space<vmem>>, vector<1x16xf32>,
      %get3A_148 = vector.shape_cast %get3A_147 : vector<1x16xf32> to vector<16xf32>
      %mul3A_149 = arith.mulf %get3A_144, %get3A_148 : vector<16xf32>
      %swap3A_150 = arith.index_cast %scan3A_99 : i32 to index
      %swap3A_151 = arith.constant 48 : index
      %swap3A_152 = tpu.vector_load %arg12[%swap3A_150, %swap3A_151] {strides = array<i32>} : memref<80x128xf32, #tpu.memory_space<vmem>>, vector<1x16xf32>,
      %swap3A_153 = vector.shape_cast %swap3A_152 : vector<1x16xf32> to vector<16xf32>
      %swap3A_154 = vector.shape_cast %mul3A_149 : vector<16xf32> to vector<1x16xf32>
      tpu.vector_store %arg12[%swap3A_150, %swap3A_151], %swap3A_154 {strides = array<i32>} : memref<80x128xf32, #tpu.memory_space<vmem>>, vector<1x16xf32>,
      %get3A_155 = arith.index_cast %scan3A_99 : i32 to index
      %get3A_156 = arith.constant 64 : index
      %get3A_157 = tpu.vector_load %arg12[%get3A_155, %get3A_156] {strides = array<i32>} : memref<80x128xf32, #tpu.memory_space<vmem>>, vector<1x16xf32>,
      %get3A_158 = vector.shape_cast %get3A_157 : vector<1x16xf32> to vector<16xf32>
      %get3A_159 = arith.index_cast %scan3A_99 : i32 to index
      %get3A_160 = arith.constant 64 : index
      %get3A_161 = tpu.vector_load %arg14[%get3A_159, %get3A_160] {strides = array<i32>} : memref<80x128xf32, #tpu.memory_space<vmem>>, vector<1x16xf32>,
      %get3A_162 = vector.shape_cast %get3A_161 : vector<1x16xf32> to vector<16xf32>
      %mul3A_163 = arith.mulf %get3A_158, %get3A_162 : vector<16xf32>
      %swap3A_164 = arith.index_cast %scan3A_99 : i32 to index
      %swap3A_165 = arith.constant 64 : index
      %swap3A_166 = tpu.vector_load %arg12[%swap3A_164, %swap3A_165] {strides = array<i32>} : memref<80x128xf32, #tpu.memory_space<vmem>>, vector<1x16xf32>,
      %swap3A_167 = vector.shape_cast %swap3A_166 : vector<1x16xf32> to vector<16xf32>
      %swap3A_168 = vector.shape_cast %mul3A_163 : vector<16xf32> to vector<1x16xf32>
      tpu.vector_store %arg12[%swap3A_164, %swap3A_165], %swap3A_168 {strides = array<i32>} : memref<80x128xf32, #tpu.memory_space<vmem>>, vector<1x16xf32>,
      %get3A_169 = arith.index_cast %scan3A_99 : i32 to index
      %get3A_170 = arith.constant 80 : index
      %get3A_171 = tpu.vector_load %arg12[%get3A_169, %get3A_170] {strides = array<i32>} : memref<80x128xf32, #tpu.memory_space<vmem>>, vector<1x16xf32>,
      %get3A_172 = vector.shape_cast %get3A_171 : vector<1x16xf32> to vector<16xf32>
      %get3A_173 = arith.index_cast %scan3A_99 : i32 to index
      %get3A_174 = arith.constant 80 : index
      %get3A_175 = tpu.vector_load %arg14[%get3A_173, %get3A_174] {strides = array<i32>} : memref<80x128xf32, #tpu.memory_space<vmem>>, vector<1x16xf32>,
      %get3A_176 = vector.shape_cast %get3A_175 : vector<1x16xf32> to vector<16xf32>
      %mul3A_177 = arith.mulf %get3A_172, %get3A_176 : vector<16xf32>
      %swap3A_178 = arith.index_cast %scan3A_99 : i32 to index
      %swap3A_179 = arith.constant 80 : index
      %swap3A_180 = tpu.vector_load %arg12[%swap3A_178, %swap3A_179] {strides = array<i32>} : memref<80x128xf32, #tpu.memory_space<vmem>>, vector<1x16xf32>,
      %swap3A_181 = vector.shape_cast %swap3A_180 : vector<1x16xf32> to vector<16xf32>
      %swap3A_182 = vector.shape_cast %mul3A_177 : vector<16xf32> to vector<1x16xf32>
      tpu.vector_store %arg12[%swap3A_178, %swap3A_179], %swap3A_182 {strides = array<i32>} : memref<80x128xf32, #tpu.memory_space<vmem>>, vector<1x16xf32>,
      %get3A_183 = arith.index_cast %scan3A_99 : i32 to index
      %get3A_184 = arith.constant 96 : index
      %get3A_185 = tpu.vector_load %arg12[%get3A_183, %get3A_184] {strides = array<i32>} : memref<80x128xf32, #tpu.memory_space<vmem>>, vector<1x16xf32>,
      %get3A_186 = vector.shape_cast %get3A_185 : vector<1x16xf32> to vector<16xf32>
      %get3A_187 = arith.index_cast %scan3A_99 : i32 to index
      %get3A_188 = arith.constant 96 : index
      %get3A_189 = tpu.vector_load %arg14[%get3A_187, %get3A_188] {strides = array<i32>} : memref<80x128xf32, #tpu.memory_space<vmem>>, vector<1x16xf32>,
      %get3A_190 = vector.shape_cast %get3A_189 : vector<1x16xf32> to vector<16xf32>
      %mul3A_191 = arith.mulf %get3A_186, %get3A_190 : vector<16xf32>
      %swap3A_192 = arith.index_cast %scan3A_99 : i32 to index
      %swap3A_193 = arith.constant 96 : index
      %swap3A_194 = tpu.vector_load %arg12[%swap3A_192, %swap3A_193] {strides = array<i32>} : memref<80x128xf32, #tpu.memory_space<vmem>>, vector<1x16xf32>,
      %swap3A_195 = vector.shape_cast %swap3A_194 : vector<1x16xf32> to vector<16xf32>
      %swap3A_196 = vector.shape_cast %mul3A_191 : vector<16xf32> to vector<1x16xf32>
      tpu.vector_store %arg12[%swap3A_192, %swap3A_193], %swap3A_196 {strides = array<i32>} : memref<80x128xf32, #tpu.memory_space<vmem>>, vector<1x16xf32>,
      %get3A_197 = arith.index_cast %scan3A_99 : i32 to index
      %get3A_198 = arith.constant 112 : index
      %get3A_199 = tpu.vector_load %arg12[%get3A_197, %get3A_198] {strides = array<i32>} : memref<80x128xf32, #tpu.memory_space<vmem>>, vector<1x16xf32>,
      %get3A_200 = vector.shape_cast %get3A_199 : vector<1x16xf32> to vector<16xf32>
      %get3A_201 = arith.index_cast %scan3A_99 : i32 to index
      %get3A_202 = arith.constant 112 : index
      %get3A_203 = tpu.vector_load %arg14[%get3A_201, %get3A_202] {strides = array<i32>} : memref<80x128xf32, #tpu.memory_space<vmem>>, vector<1x16xf32>,
      %get3A_204 = vector.shape_cast %get3A_203 : vector<1x16xf32> to vector<16xf32>
      %mul3A_205 = arith.mulf %get3A_200, %get3A_204 : vector<16xf32>
      %swap3A_206 = arith.index_cast %scan3A_99 : i32 to index
      %swap3A_207 = arith.constant 112 : index
      %swap3A_208 = tpu.vector_load %arg12[%swap3A_206, %swap3A_207] {strides = array<i32>} : memref<80x128xf32, #tpu.memory_space<vmem>>, vector<1x16xf32>,
      %swap3A_209 = vector.shape_cast %swap3A_208 : vector<1x16xf32> to vector<16xf32>
      %swap3A_210 = vector.shape_cast %mul3A_205 : vector<16xf32> to vector<1x16xf32>
      tpu.vector_store %arg12[%swap3A_206, %swap3A_207], %swap3A_210 {strides = array<i32>} : memref<80x128xf32, #tpu.memory_space<vmem>>, vector<1x16xf32>,
    }
    %scan3A_84 = arith.constant 80 : i32
    %run_scoped3A_85 = arith.constant 0 : i32
    "tpu.region"() ({
      %run_scoped3A_99 = tpu.sem_alloc : memref<!tpu.dma_semaphore, #tpu.memory_space<semaphore_mem>>
      %dma_start3A_100 = arith.constant 0 : i32
      %dma_start3A_101 = tpu.memref_slice %arg10[%run_scoped3A_85, %dma_start3A_100] : memref<3x80xi32, #tpu.memory_space<vmem>> -> memref<1x80xi32, #tpu.memory_space<vmem>>
      %dma_start3A_102 = tpu.memref_squeeze %dma_start3A_101 : memref<1x80xi32, #tpu.memory_space<vmem>> -> memref<80xi32, #tpu.memory_space<vmem>>
      %dma_start3A_103 = arith.constant 0 : i32
      %dma_start3A_104 = arith.constant 0 : i32
      %dma_start3A_105 = tpu.memref_slice %arg7[%dma_start3A_103, %dma_start3A_104] : memref<10000x128xf32, #tpu.memory_space<vmem_shared>> -> memref<10000x128xf32, #tpu.memory_space<vmem_shared>>
      tpu.enqueue_indirect_dma source(%arg12 : memref<80x128xf32, #tpu.memory_space<vmem>>) target(%dma_start3A_105 : memref<10000x128xf32, #tpu.memory_space<vmem_shared>>) offsets(%dma_start3A_102 : memref<80xi32, #tpu.memory_space<vmem>>) semaphore(%run_scoped3A_99 : memref<!tpu.dma_semaphore, #tpu.memory_space<semaphore_mem>>) {add = true}
      %dma_wait3A_106 = arith.constant 0 : i32
      %dma_wait3A_107 = tpu.memref_slice %arg10[%run_scoped3A_85, %dma_wait3A_106] : memref<3x80xi32, #tpu.memory_space<vmem>> -> memref<1x80xi32, #tpu.memory_space<vmem>>
      %dma_wait3A_108 = tpu.memref_squeeze %dma_wait3A_107 : memref<1x80xi32, #tpu.memory_space<vmem>> -> memref<80xi32, #tpu.memory_space<vmem>>
      %dma_wait3A_109 = arith.constant 0 : i32
      %dma_wait3A_110 = arith.constant 0 : i32
      %dma_wait3A_111 = tpu.memref_slice %arg7[%dma_wait3A_109, %dma_wait3A_110] : memref<10000x128xf32, #tpu.memory_space<vmem_shared>> -> memref<10000x128xf32, #tpu.memory_space<vmem_shared>>
      tpu.wait_indirect_dma semaphore(%run_scoped3A_99 : memref<!tpu.dma_semaphore, #tpu.memory_space<semaphore_mem>>) src(%arg12 : memref<80x128xf32, #tpu.memory_space<vmem>>) dst(%dma_wait3A_111 : memref<10000x128xf32, #tpu.memory_space<vmem_shared>>)
      tpu.yield
    }) : () -> ()
    %run_scoped3A_86 = arith.constant 0 : i32
    "tpu.region"() ({
      %run_scoped3A_99 = tpu.sem_alloc : memref<!tpu.dma_semaphore, #tpu.memory_space<semaphore_mem>>
      %dma_start3A_100 = arith.constant 0 : i32
      %dma_start3A_101 = tpu.memref_slice %arg10[%run_scoped3A_86, %dma_start3A_100] : memref<3x80xi32, #tpu.memory_space<vmem>> -> memref<1x80xi32, #tpu.memory_space<vmem>>
      %dma_start3A_102 = tpu.memref_squeeze %dma_start3A_101 : memref<1x80xi32, #tpu.memory_space<vmem>> -> memref<80xi32, #tpu.memory_space<vmem>>
      %dma_start3A_103 = arith.constant 0 : i32
      %dma_start3A_104 = tpu.memref_slice %arg8[%dma_start3A_103] : memref<10000xf32, #tpu.memory_space<vmem_shared>> -> memref<10000xf32, #tpu.memory_space<vmem_shared>>
      tpu.enqueue_indirect_dma source(%arg15 : memref<80xf32, #tpu.memory_space<vmem>>) target(%dma_start3A_104 : memref<10000xf32, #tpu.memory_space<vmem_shared>>) offsets(%dma_start3A_102 : memref<80xi32, #tpu.memory_space<vmem>>) semaphore(%run_scoped3A_99 : memref<!tpu.dma_semaphore, #tpu.memory_space<semaphore_mem>>) {add = true}
      %dma_wait3A_105 = arith.constant 0 : i32
      %dma_wait3A_106 = tpu.memref_slice %arg10[%run_scoped3A_86, %dma_wait3A_105] : memref<3x80xi32, #tpu.memory_space<vmem>> -> memref<1x80xi32, #tpu.memory_space<vmem>>
      %dma_wait3A_107 = tpu.memref_squeeze %dma_wait3A_106 : memref<1x80xi32, #tpu.memory_space<vmem>> -> memref<80xi32, #tpu.memory_space<vmem>>
      %dma_wait3A_108 = arith.constant 0 : i32
      %dma_wait3A_109 = tpu.memref_slice %arg8[%dma_wait3A_108] : memref<10000xf32, #tpu.memory_space<vmem_shared>> -> memref<10000xf32, #tpu.memory_space<vmem_shared>>
      tpu.wait_indirect_dma semaphore(%run_scoped3A_99 : memref<!tpu.dma_semaphore, #tpu.memory_space<semaphore_mem>>) src(%arg15 : memref<80xf32, #tpu.memory_space<vmem>>) dst(%dma_wait3A_109 : memref<10000xf32, #tpu.memory_space<vmem_shared>>)
      tpu.yield
    }) : () -> ()
    %barrier3A_87 = arith.constant 0 : index
    tpu.barrier barrier_id(%barrier3A_87)
    "tpu.region"() ({
      %run_scoped3A_99 = tpu.sem_alloc : memref<!tpu.dma_semaphore, #tpu.memory_space<semaphore_mem>>
      %dma_start3A_100 = arith.constant 0 : i32
      %dma_start3A_101 = tpu.memref_slice %arg5[%arg0, %multiple_of3A, %dma_start3A_100] : memref<2x10000x128xf32, #tpu.memory_space<hbm>> -> memref<1x624x128xf32, #tpu.memory_space<hbm>>
      %dma_start3A_102 = tpu.memref_squeeze %dma_start3A_101 : memref<1x624x128xf32, #tpu.memory_space<hbm>> -> memref<624x128xf32, #tpu.memory_space<hbm>>
      %dma_start3A_103 = arith.constant 0 : i32
      %dma_start3A_104 = tpu.memref_slice %arg7[%multiple_of3A, %dma_start3A_103] : memref<10000x128xf32, #tpu.memory_space<vmem_shared>> -> memref<624x128xf32, #tpu.memory_space<vmem_shared>>
      tpu.enqueue_dma source(%dma_start3A_104 : memref<624x128xf32, #tpu.memory_space<vmem_shared>>) target(%dma_start3A_102 : memref<624x128xf32, #tpu.memory_space<hbm>>) target_semaphore(%run_scoped3A_99 : memref<!tpu.dma_semaphore, #tpu.memory_space<semaphore_mem>>)
      %dma_wait3A_105 = arith.constant 0 : i32
      %dma_wait3A_106 = tpu.memref_slice %arg5[%arg0, %multiple_of3A, %dma_wait3A_105] : memref<2x10000x128xf32, #tpu.memory_space<hbm>> -> memref<1x624x128xf32, #tpu.memory_space<hbm>>
      %dma_wait3A_107 = tpu.memref_squeeze %dma_wait3A_106 : memref<1x624x128xf32, #tpu.memory_space<hbm>> -> memref<624x128xf32, #tpu.memory_space<hbm>>
      %dma_wait3A_108 = arith.constant 0 : i32
      %dma_wait3A_109 = tpu.memref_slice %arg7[%multiple_of3A, %dma_wait3A_108] : memref<10000x128xf32, #tpu.memory_space<vmem_shared>> -> memref<624x128xf32, #tpu.memory_space<vmem_shared>>
      tpu.wait_dma2 semaphore(%run_scoped3A_99 : memref<!tpu.dma_semaphore, #tpu.memory_space<semaphore_mem>>) src(%dma_wait3A_109 : memref<624x128xf32, #tpu.memory_space<vmem_shared>>) dst(%dma_wait3A_107 : memref<624x128xf32, #tpu.memory_space<hbm>>)
      tpu.yield
    }) : () -> ()
    %mul3A_88 = arith.constant 10000 : i32
    %mul3A_89 = arith.muli %arg0, %mul3A_88 : i32
    %mul3A_90 = arith.constant 624 : i32
    %mul3A_91 = arith.muli %arg1, %mul3A_90 : i32
    %add3A_92 = arith.addi %mul3A_89, %mul3A_91 : i32
    %multiple_of3A_93 = tpu.assume_multiple %add3A_92, 8 : i32
    "tpu.region"() ({
      %run_scoped3A_99 = tpu.sem_alloc : memref<!tpu.dma_semaphore, #tpu.memory_space<semaphore_mem>>
      %dma_start3A_100 = tpu.memref_slice %arg8[%multiple_of3A] : memref<10000xf32, #tpu.memory_space<vmem_shared>> -> memref<624xf32, #tpu.memory_space<vmem_shared>>
      %dma_start3A_101 = tpu.memref_slice %arg8[%multiple_of3A] : memref<10000xf32, #tpu.memory_space<vmem_shared>> -> memref<624xf32, #tpu.memory_space<vmem_shared>>
      tpu.enqueue_dma source(%dma_start3A_101 : memref<624xf32, #tpu.memory_space<vmem_shared>>) target(%arg16 : memref<624xf32, #tpu.memory_space<vmem>>) target_semaphore(%run_scoped3A_99 : memref<!tpu.dma_semaphore, #tpu.memory_space<semaphore_mem>>)
      %dma_wait3A_102 = tpu.memref_slice %arg8[%multiple_of3A] : memref<10000xf32, #tpu.memory_space<vmem_shared>> -> memref<624xf32, #tpu.memory_space<vmem_shared>>
      %dma_wait3A_103 = tpu.memref_slice %arg8[%multiple_of3A] : memref<10000xf32, #tpu.memory_space<vmem_shared>> -> memref<624xf32, #tpu.memory_space<vmem_shared>>
      tpu.wait_dma2 semaphore(%run_scoped3A_99 : memref<!tpu.dma_semaphore, #tpu.memory_space<semaphore_mem>>) src(%dma_wait3A_103 : memref<624xf32, #tpu.memory_space<vmem_shared>>) dst(%arg16 : memref<624xf32, #tpu.memory_space<vmem>>)
      tpu.yield
    }) : () -> ()
    "tpu.region"() ({
      %run_scoped3A_99 = tpu.sem_alloc : memref<!tpu.dma_semaphore, #tpu.memory_space<semaphore_mem>>
      %dma_start3A_100 = tpu.memref_slice %arg6[%multiple_of3A_93] : memref<20000xf32, #tpu.memory_space<hbm>> -> memref<624xf32, #tpu.memory_space<hbm>>
      %dma_start3A_101 = tpu.memref_slice %arg6[%multiple_of3A_93] : memref<20000xf32, #tpu.memory_space<hbm>> -> memref<624xf32, #tpu.memory_space<hbm>>
      tpu.enqueue_dma source(%arg16 : memref<624xf32, #tpu.memory_space<vmem>>) target(%dma_start3A_101 : memref<624xf32, #tpu.memory_space<hbm>>) target_semaphore(%run_scoped3A_99 : memref<!tpu.dma_semaphore, #tpu.memory_space<semaphore_mem>>)
      %dma_wait3A_102 = tpu.memref_slice %arg6[%multiple_of3A_93] : memref<20000xf32, #tpu.memory_space<hbm>> -> memref<624xf32, #tpu.memory_space<hbm>>
      %dma_wait3A_103 = tpu.memref_slice %arg6[%multiple_of3A_93] : memref<20000xf32, #tpu.memory_space<hbm>> -> memref<624xf32, #tpu.memory_space<hbm>>
      tpu.wait_dma2 semaphore(%run_scoped3A_99 : memref<!tpu.dma_semaphore, #tpu.memory_space<semaphore_mem>>) src(%arg16 : memref<624xf32, #tpu.memory_space<vmem>>) dst(%dma_wait3A_103 : memref<624xf32, #tpu.memory_space<hbm>>)
      tpu.yield
    }) : () -> ()
    %eq3A_94 = arith.constant 0 : i32
    %eq3A_95 = arith.cmpi eq, %arg1, %eq3A_94 : i32
    %convert_element_type3A_96 = arith.extui %eq3A_95 : i1 to i32
    %cond3A_97 = arith.constant 0 : i32
    %cond3A_98 = arith.cmpi ne, %convert_element_type3A_96, %cond3A_97 : i32
    scf.if %cond3A_98 {
      "tpu.region"() ({
        %run_scoped3A_103 = tpu.sem_alloc : memref<!tpu.dma_semaphore, #tpu.memory_space<semaphore_mem>>
        %dma_start3A_104 = arith.constant 9984 : i32
        %dma_start3A_105 = arith.constant 0 : i32
        %dma_start3A_106 = tpu.memref_slice %arg5[%arg0, %dma_start3A_104, %dma_start3A_105] : memref<2x10000x128xf32, #tpu.memory_space<hbm>> -> memref<1x16x128xf32, #tpu.memory_space<hbm>>
        %dma_start3A_107 = tpu.memref_squeeze %dma_start3A_106 : memref<1x16x128xf32, #tpu.memory_space<hbm>> -> memref<16x128xf32, #tpu.memory_space<hbm>>
        %dma_start3A_108 = arith.constant 9984 : i32
        %dma_start3A_109 = arith.constant 0 : i32
        %dma_start3A_110 = tpu.memref_slice %arg7[%dma_start3A_108, %dma_start3A_109] : memref<10000x128xf32, #tpu.memory_space<vmem_shared>> -> memref<16x128xf32, #tpu.memory_space<vmem_shared>>
        tpu.enqueue_dma source(%dma_start3A_110 : memref<16x128xf32, #tpu.memory_space<vmem_shared>>) target(%dma_start3A_107 : memref<16x128xf32, #tpu.memory_space<hbm>>) target_semaphore(%run_scoped3A_103 : memref<!tpu.dma_semaphore, #tpu.memory_space<semaphore_mem>>)
        %dma_wait3A_111 = arith.constant 9984 : i32
        %dma_wait3A_112 = arith.constant 0 : i32
        %dma_wait3A_113 = tpu.memref_slice %arg5[%arg0, %dma_wait3A_111, %dma_wait3A_112] : memref<2x10000x128xf32, #tpu.memory_space<hbm>> -> memref<1x16x128xf32, #tpu.memory_space<hbm>>
        %dma_wait3A_114 = tpu.memref_squeeze %dma_wait3A_113 : memref<1x16x128xf32, #tpu.memory_space<hbm>> -> memref<16x128xf32, #tpu.memory_space<hbm>>
        %dma_wait3A_115 = arith.constant 9984 : i32
        %dma_wait3A_116 = arith.constant 0 : i32
        %dma_wait3A_117 = tpu.memref_slice %arg7[%dma_wait3A_115, %dma_wait3A_116] : memref<10000x128xf32, #tpu.memory_space<vmem_shared>> -> memref<16x128xf32, #tpu.memory_space<vmem_shared>>
        tpu.wait_dma2 semaphore(%run_scoped3A_103 : memref<!tpu.dma_semaphore, #tpu.memory_space<semaphore_mem>>) src(%dma_wait3A_117 : memref<16x128xf32, #tpu.memory_space<vmem_shared>>) dst(%dma_wait3A_114 : memref<16x128xf32, #tpu.memory_space<hbm>>)
        tpu.yield
      }) : () -> ()
      "tpu.region"() ({
        %run_scoped3A_103 = tpu.sem_alloc : memref<!tpu.dma_semaphore, #tpu.memory_space<semaphore_mem>>
        %dma_start3A_104 = arith.constant 0 : i32
        %dma_start3A_105 = tpu.memref_slice %arg16[%dma_start3A_104] : memref<624xf32, #tpu.memory_space<vmem>> -> memref<16xf32, #tpu.memory_space<vmem>>
        %dma_start3A_106 = arith.constant 9984 : i32
        %dma_start3A_107 = tpu.memref_slice %arg8[%dma_start3A_106] : memref<10000xf32, #tpu.memory_space<vmem_shared>> -> memref<16xf32, #tpu.memory_space<vmem_shared>>
        %dma_start3A_108 = arith.constant 0 : i32
        %dma_start3A_109 = tpu.memref_slice %arg16[%dma_start3A_108] : memref<624xf32, #tpu.memory_space<vmem>> -> memref<16xf32, #tpu.memory_space<vmem>>
        %dma_start3A_110 = arith.constant 9984 : i32
        %dma_start3A_111 = tpu.memref_slice %arg8[%dma_start3A_110] : memref<10000xf32, #tpu.memory_space<vmem_shared>> -> memref<16xf32, #tpu.memory_space<vmem_shared>>
        tpu.enqueue_dma source(%dma_start3A_111 : memref<16xf32, #tpu.memory_space<vmem_shared>>) target(%dma_start3A_109 : memref<16xf32, #tpu.memory_space<vmem>>) target_semaphore(%run_scoped3A_103 : memref<!tpu.dma_semaphore, #tpu.memory_space<semaphore_mem>>)
        %dma_wait3A_112 = arith.constant 0 : i32
        %dma_wait3A_113 = tpu.memref_slice %arg16[%dma_wait3A_112] : memref<624xf32, #tpu.memory_space<vmem>> -> memref<16xf32, #tpu.memory_space<vmem>>
        %dma_wait3A_114 = arith.constant 9984 : i32
        %dma_wait3A_115 = tpu.memref_slice %arg8[%dma_wait3A_114] : memref<10000xf32, #tpu.memory_space<vmem_shared>> -> memref<16xf32, #tpu.memory_space<vmem_shared>>
        %dma_wait3A_116 = arith.constant 0 : i32
        %dma_wait3A_117 = tpu.memref_slice %arg16[%dma_wait3A_116] : memref<624xf32, #tpu.memory_space<vmem>> -> memref<16xf32, #tpu.memory_space<vmem>>
        %dma_wait3A_118 = arith.constant 9984 : i32
        %dma_wait3A_119 = tpu.memref_slice %arg8[%dma_wait3A_118] : memref<10000xf32, #tpu.memory_space<vmem_shared>> -> memref<16xf32, #tpu.memory_space<vmem_shared>>
        tpu.wait_dma2 semaphore(%run_scoped3A_103 : memref<!tpu.dma_semaphore, #tpu.memory_space<semaphore_mem>>) src(%dma_wait3A_119 : memref<16xf32, #tpu.memory_space<vmem_shared>>) dst(%dma_wait3A_117 : memref<16xf32, #tpu.memory_space<vmem>>)
        tpu.yield
      }) : () -> ()
      %mul3A_99 = arith.constant 10000 : i32
      %mul3A_100 = arith.muli %arg0, %mul3A_99 : i32
      %add3A_101 = arith.constant 9984 : i32
      %add3A_102 = arith.addi %mul3A_100, %add3A_101 : i32
      "tpu.region"() ({
        %run_scoped3A_103 = tpu.sem_alloc : memref<!tpu.dma_semaphore, #tpu.memory_space<semaphore_mem>>
        %dma_start3A_104 = arith.constant 0 : i32
        %dma_start3A_105 = tpu.memref_slice %arg16[%dma_start3A_104] : memref<624xf32, #tpu.memory_space<vmem>> -> memref<16xf32, #tpu.memory_space<vmem>>
        %dma_start3A_106 = tpu.memref_slice %arg6[%add3A_102] : memref<20000xf32, #tpu.memory_space<hbm>> -> memref<16xf32, #tpu.memory_space<hbm>>
        %dma_start3A_107 = tpu.memref_slice %arg6[%add3A_102] : memref<20000xf32, #tpu.memory_space<hbm>> -> memref<16xf32, #tpu.memory_space<hbm>>
        %dma_start3A_108 = arith.constant 0 : i32
        %dma_start3A_109 = tpu.memref_slice %arg16[%dma_start3A_108] : memref<624xf32, #tpu.memory_space<vmem>> -> memref<16xf32, #tpu.memory_space<vmem>>
        tpu.enqueue_dma source(%dma_start3A_109 : memref<16xf32, #tpu.memory_space<vmem>>) target(%dma_start3A_107 : memref<16xf32, #tpu.memory_space<hbm>>) target_semaphore(%run_scoped3A_103 : memref<!tpu.dma_semaphore, #tpu.memory_space<semaphore_mem>>)
        %dma_wait3A_110 = arith.constant 0 : i32
        %dma_wait3A_111 = tpu.memref_slice %arg16[%dma_wait3A_110] : memref<624xf32, #tpu.memory_space<vmem>> -> memref<16xf32, #tpu.memory_space<vmem>>
        %dma_wait3A_112 = tpu.memref_slice %arg6[%add3A_102] : memref<20000xf32, #tpu.memory_space<hbm>> -> memref<16xf32, #tpu.memory_space<hbm>>
        %dma_wait3A_113 = tpu.memref_slice %arg6[%add3A_102] : memref<20000xf32, #tpu.memory_space<hbm>> -> memref<16xf32, #tpu.memory_space<hbm>>
        %dma_wait3A_114 = arith.constant 0 : i32
        %dma_wait3A_115 = tpu.memref_slice %arg16[%dma_wait3A_114] : memref<624xf32, #tpu.memory_space<vmem>> -> memref<16xf32, #tpu.memory_space<vmem>>
        tpu.wait_dma2 semaphore(%run_scoped3A_103 : memref<!tpu.dma_semaphore, #tpu.memory_space<semaphore_mem>>) src(%dma_wait3A_115 : memref<16xf32, #tpu.memory_space<vmem>>) dst(%dma_wait3A_113 : memref<16xf32, #tpu.memory_space<hbm>>)
        tpu.yield
      }) : () -> ()
    } else {
    }
    return
  }
}

module attributes {stable_mosaic.version = 14 : i64} {
  func.func @_user_body(%arg0: i32, %arg1: memref<256x128xf32, #tpu.memory_space<vmem>>, %arg2: memref<4x128xf32, #tpu.memory_space<vmem>>, %arg3: memref<256x10000xf32, #tpu.memory_space<vmem>>, %arg4: memref<10000x128xf32, #tpu.memory_space<vmem>>, %arg5: memref<16x128xf32, #tpu.memory_space<vmem>>, %arg6: memref<4x16xf32, #tpu.memory_space<vmem>>, %arg7: memref<256x128xf32, #tpu.memory_space<vmem>>) attributes {dimension_semantics = [#tpu.dimension_semantics<arbitrary>], iteration_bounds = array<i64: 8>, scalar_prefetch = 0 : i64, scratch_operands = 0 : i64, tpu.core_type = #tpu.core_type<tc>, window_params = [{transform_indices = @transform_0, window_bounds = array<i64: 256, 128>}, {pipeline_mode = #tpu.pipeline_mode<synchronous>, transform_indices = @transform_1, window_bounds = array<i64: 4, 128>}, {transform_indices = @transform_2, window_bounds = array<i64: 256, 10000>}, {pipeline_mode = #tpu.pipeline_mode<synchronous>, transform_indices = @transform_3, window_bounds = array<i64: 10000, 128>}, {pipeline_mode = #tpu.pipeline_mode<synchronous>, transform_indices = @transform_4, window_bounds = array<i64: 16, 128>}, {pipeline_mode = #tpu.pipeline_mode<synchronous>, transform_indices = @transform_5, window_bounds = array<i64: 4, 16>}, {transform_indices = @transform_6, window_bounds = array<i64: 256, 128>}]} {
    %get3A = arith.constant 0 : index
    %get3A_0 = arith.constant 0 : index
    %get3A_1 = vector.load %arg1[%get3A, %get3A_0] : memref<256x128xf32, #tpu.memory_space<vmem>>, vector<256x128xf32>
    %get3A_2 = arith.constant 0 : index
    %get3A_3 = arith.constant 0 : index
    %get3A_4 = vector.load %arg2[%get3A_2, %get3A_3] : memref<4x128xf32, #tpu.memory_space<vmem>>, vector<4x128xf32>
    %dot_general3A = arith.constant dense<0.000000e+00> : vector<256x4xf32>
    %dot_general3A_5 = tpu.matmul %get3A_1, %get3A_4, %dot_general3A {dimension_numbers = #tpu.dot_dimension_numbers<[1], [1], [0], [0], [0, 0, 1, 0], [], []>, transpose_lhs_hint = false} : vector<256x128xf32>, vector<4x128xf32>, vector<256x4xf32> -> vector<256x4xf32>
    %reduce_max3A = arith.constant dense<0xFF800000> : vector<256xf32>
    %reduce_max3A_6 = vector.multi_reduction <maximumf>, %dot_general3A_5, %reduce_max3A [1] : vector<256x4xf32> to vector<256xf32>
    %broadcast_in_dim3A = vector.shape_cast %reduce_max3A_6 : vector<256xf32> to vector<256x1xf32>
    %sub3A = vector.broadcast %broadcast_in_dim3A : vector<256x1xf32> to vector<256x4xf32>
    %sub3A_7 = arith.subf %dot_general3A_5, %sub3A : vector<256x4xf32>
    %exp3A = math.exp %sub3A_7 : vector<256x4xf32>
    %reduce_sum3A = arith.constant dense<0.000000e+00> : vector<256xf32>
    %reduce_sum3A_8 = vector.multi_reduction <add>, %exp3A, %reduce_sum3A [1] : vector<256x4xf32> to vector<256xf32>
    %broadcast_in_dim3A_9 = vector.shape_cast %reduce_sum3A_8 : vector<256xf32> to vector<256x1xf32>
    %div3A = vector.broadcast %broadcast_in_dim3A_9 : vector<256x1xf32> to vector<256x4xf32>
    %div3A_10 = arith.divf %exp3A, %div3A : vector<256x4xf32>
    %get3A_11 = arith.constant 0 : index
    %get3A_12 = arith.constant 0 : index
    %get3A_13 = vector.load %arg6[%get3A_11, %get3A_12] : memref<4x16xf32, #tpu.memory_space<vmem>>, vector<4x16xf32>
    %reduce_max3A_14 = arith.constant dense<0xFF800000> : vector<4xf32>
    %reduce_max3A_15 = vector.multi_reduction <maximumf>, %get3A_13, %reduce_max3A_14 [1] : vector<4x16xf32> to vector<4xf32>
    %broadcast_in_dim3A_16 = vector.shape_cast %reduce_max3A_15 : vector<4xf32> to vector<4x1xf32>
    %sub3A_17 = vector.broadcast %broadcast_in_dim3A_16 : vector<4x1xf32> to vector<4x16xf32>
    %sub3A_18 = arith.subf %get3A_13, %sub3A_17 : vector<4x16xf32>
    %exp3A_19 = math.exp %sub3A_18 : vector<4x16xf32>
    %reduce_sum3A_20 = arith.constant dense<0.000000e+00> : vector<4xf32>
    %reduce_sum3A_21 = vector.multi_reduction <add>, %exp3A_19, %reduce_sum3A_20 [1] : vector<4x16xf32> to vector<4xf32>
    %broadcast_in_dim3A_22 = vector.shape_cast %reduce_sum3A_21 : vector<4xf32> to vector<4x1xf32>
    %div3A_23 = vector.broadcast %broadcast_in_dim3A_22 : vector<4x1xf32> to vector<4x16xf32>
    %div3A_24 = arith.divf %exp3A_19, %div3A_23 : vector<4x16xf32>
    %get3A_25 = arith.constant 0 : index
    %get3A_26 = arith.constant 0 : index
    %get3A_27 = vector.load %arg5[%get3A_25, %get3A_26] : memref<16x128xf32, #tpu.memory_space<vmem>>, vector<16x128xf32>
    %dot_general3A_28 = arith.constant dense<0.000000e+00> : vector<4x128xf32>
    %dot_general3A_29 = tpu.matmul %div3A_24, %get3A_27, %dot_general3A_28 {dimension_numbers = #tpu.dot_dimension_numbers<[1], [0], [0], [1], [0, 0, 1, 1], [], []>, transpose_lhs_hint = false} : vector<4x16xf32>, vector<16x128xf32>, vector<4x128xf32> -> vector<4x128xf32>
    %dot_general3A_30 = arith.constant dense<0.000000e+00> : vector<256x128xf32>
    %dot_general3A_31 = tpu.matmul %div3A_10, %dot_general3A_29, %dot_general3A_30 {dimension_numbers = #tpu.dot_dimension_numbers<[1], [0], [0], [1], [0, 0, 1, 1], [], []>, transpose_lhs_hint = false} : vector<256x4xf32>, vector<4x128xf32>, vector<256x128xf32> -> vector<256x128xf32>
    %get3A_32 = arith.constant 0 : index
    %get3A_33 = arith.constant 0 : index
    %get3A_34 = vector.load %arg3[%get3A_32, %get3A_33] : memref<256x10000xf32, #tpu.memory_space<vmem>>, vector<256x10000xf32>
    %get3A_35 = arith.constant 0 : index
    %get3A_36 = arith.constant 0 : index
    %get3A_37 = vector.load %arg4[%get3A_35, %get3A_36] : memref<10000x128xf32, #tpu.memory_space<vmem>>, vector<10000x128xf32>
    %dot_general3A_38 = arith.constant dense<0.000000e+00> : vector<256x128xf32>
    %dot_general3A_39 = tpu.matmul %get3A_34, %get3A_37, %dot_general3A_38 {dimension_numbers = #tpu.dot_dimension_numbers<[1], [0], [0], [1], [0, 0, 1, 1], [], []>, transpose_lhs_hint = false} : vector<256x10000xf32>, vector<10000x128xf32>, vector<256x128xf32> -> vector<256x128xf32>
    %add3A = arith.constant 1.000000e+00 : f32
    %add3A_40 = vector.broadcast %add3A : f32 to vector<256x128xf32>
    %add3A_41 = arith.addf %dot_general3A_31, %add3A_40 : vector<256x128xf32>
    %mul3A = arith.mulf %dot_general3A_39, %add3A_41 : vector<256x128xf32>
    %swap3A = arith.constant 0 : index
    %swap3A_42 = arith.constant 0 : index
    %swap3A_43 = vector.load %arg7[%swap3A, %swap3A_42] : memref<256x128xf32, #tpu.memory_space<vmem>>, vector<256x128xf32>
    tpu.vector_store %arg7[%swap3A, %swap3A_42], %mul3A {strides = array<i32>} : memref<256x128xf32, #tpu.memory_space<vmem>>, vector<256x128xf32>,
    return
  }
  func.func @transform_0(%arg0: i32) -> (i32, i32) {
    %c0_i32 = arith.constant 0 : i32
    %c0_i32_0 = arith.constant 0 : i32
    return %arg0, %c0_i32 : i32, i32
  }
  func.func @transform_1(%arg0: i32) -> (i32, i32) {
    %c0_i32 = arith.constant 0 : i32
    %c0_i32_0 = arith.constant 0 : i32
    %c0_i32_1 = arith.constant 0 : i32
    return %c0_i32, %c0_i32_0 : i32, i32
  }
  func.func @transform_2(%arg0: i32) -> (i32, i32) {
    %c0_i32 = arith.constant 0 : i32
    %c0_i32_0 = arith.constant 0 : i32
    return %arg0, %c0_i32 : i32, i32
  }
  func.func @transform_3(%arg0: i32) -> (i32, i32) {
    %c0_i32 = arith.constant 0 : i32
    %c0_i32_0 = arith.constant 0 : i32
    %c0_i32_1 = arith.constant 0 : i32
    return %c0_i32, %c0_i32_0 : i32, i32
  }
  func.func @transform_4(%arg0: i32) -> (i32, i32) {
    %c0_i32 = arith.constant 0 : i32
    %c0_i32_0 = arith.constant 0 : i32
    %c0_i32_1 = arith.constant 0 : i32
    return %c0_i32, %c0_i32_0 : i32, i32
  }
  func.func @transform_5(%arg0: i32) -> (i32, i32) {
    %c0_i32 = arith.constant 0 : i32
    %c0_i32_0 = arith.constant 0 : i32
    %c0_i32_1 = arith.constant 0 : i32
    return %c0_i32, %c0_i32_0 : i32, i32
  }
  func.func @transform_6(%arg0: i32) -> (i32, i32) {
    %c0_i32 = arith.constant 0 : i32
    %c0_i32_0 = arith.constant 0 : i32
    return %arg0, %c0_i32 : i32, i32
  }
}

module attributes {stable_mosaic.version = 14 : i64} {
  func.func @_fin_body(%arg0: memref<2x10000x128xf32, #tpu.memory_space<vmem>>, %arg1: memref<2x10000xf32, #tpu.memory_space<vmem>>, %arg2: memref<10000x128xf32, #tpu.memory_space<vmem>>) attributes {dimension_semantics = [], scalar_prefetch = 0 : i64, scratch_operands = 0 : i64, tpu.core_type = #tpu.core_type<tc>} {
    %get3A = arith.constant 0 : index
    %get3A_0 = arith.constant 0 : index
    %get3A_1 = arith.constant 0 : index
    %get3A_2 = vector.load %arg0[%get3A, %get3A_0, %get3A_1] : memref<2x10000x128xf32, #tpu.memory_space<vmem>>, vector<1x10000x128xf32>
    %get3A_3 = vector.shape_cast %get3A_2 : vector<1x10000x128xf32> to vector<10000x128xf32>
    %get3A_4 = arith.constant 1 : index
    %get3A_5 = arith.constant 0 : index
    %get3A_6 = arith.constant 0 : index
    %get3A_7 = vector.load %arg0[%get3A_4, %get3A_5, %get3A_6] : memref<2x10000x128xf32, #tpu.memory_space<vmem>>, vector<1x10000x128xf32>
    %get3A_8 = vector.shape_cast %get3A_7 : vector<1x10000x128xf32> to vector<10000x128xf32>
    %add3A = arith.addf %get3A_3, %get3A_8 : vector<10000x128xf32>
    %get3A_9 = arith.constant 0 : index
    %get3A_10 = arith.constant 0 : index
    %get3A_11 = vector.load %arg1[%get3A_9, %get3A_10] : memref<2x10000xf32, #tpu.memory_space<vmem>>, vector<2x10000xf32>
    %reduce_sum3A = arith.constant dense<0.000000e+00> : vector<10000xf32>
    %reduce_sum3A_12 = vector.multi_reduction <add>, %get3A_11, %reduce_sum3A [0] : vector<2x10000xf32> to vector<10000xf32>
    %reshape3A = vector.shape_cast %reduce_sum3A_12 : vector<10000xf32> to vector<10000x1xf32>
    %max3A = arith.constant 1.000000e+00 : f32
    %max3A_13 = vector.broadcast %max3A : f32 to vector<10000x1xf32>
    %max3A_14 = arith.maximumf %reshape3A, %max3A_13 : vector<10000x1xf32>
    %div3A = vector.broadcast %max3A_14 : vector<10000x1xf32> to vector<10000x128xf32>
    %div3A_15 = arith.divf %add3A, %div3A : vector<10000x128xf32>
    %swap3A = arith.constant 0 : index
    %swap3A_16 = arith.constant 0 : index
    %swap3A_17 = vector.load %arg2[%swap3A, %swap3A_16] : memref<10000x128xf32, #tpu.memory_space<vmem>>, vector<10000x128xf32>
    tpu.vector_store %arg2[%swap3A, %swap3A_16], %div3A_15 {strides = array<i32>} : memref<10000x128xf32, #tpu.memory_space<vmem>>, vector<10000x128xf32>,
    return
  }
}

</mosaic_0001>

<sc_bundles>
// kernel: kernel.5.cloned.1.call-start
scs
__scs_entry_jumppad:
0x0: {  	(pc) =	sbr.rel $0x88, $3  }
0x1: {  	(tag) =	ssettag $0x0;
	lr =	simm.s32 $0x1  }
0x2: {  	[smem:$0x3F99] =	sst lr;
	_ =	strace $0xD0000000  }
0x3: {  	_ = 	snop  }
0x4: {  	_ = 	snop  }
0x5: {  	_ = 	snop  }
0x6: {  	_ = 	snop  }
0x7: {  	_ = 	snop  }
__scs_overlays_trampoline_lowered:
0x8: {  	[smem:$0x3FA8] =	sst s0  }
0x9: {  	[smem:$0x3FA9] =	sst s1  }
0xa: {  	[smem:$0x3FAA] =	sst s2  }
0xb: {  	[smem:$0x3FAB] =	sst s3  }
0xc: {  	[smem:$0x3FAC] =	sst s4  }
0xd: {  	[smem:$0x3FAD] =	sst s5  }
0xe: {  	[smem:$0x3FAE] =	sst s6  }
0xf: {  	[smem:$0x3FAF] =	sst s7  }
0x10: {  	[smem:$0x3FB0] =	sst s8  }
0x11: {  	[smem:$0x3FB1] =	sst s9;
	s0 =	simm.s32 @!p0 $0x0  }
0x12: {  	s1 =	sld [smem:$0x3F97];
	s0 =	simm.s32 @p0 $0x1  }
0x13: {  	[smem:$0x3FB2] =	sst s0;
	s0 =	simm.s32 @!p1 $0x0  }
0x14: {  	s2 =	sld [smem:$0x3F96];
	s0 =	simm.s32 @p1 $0x1  }
0x15: {  	[smem:$0x3FB3] =	sst s0;
	s0 =	simm.s32 @!p2 $0x0  }
0x16: {  	s3 =	sld [smem:$0x3FDB];
	s0 =	simm.s32 @p2 $0x1  }
0x17: {  	s4 =	simm.s32 $0x1BF5;
	[smem:$0x3FB5] =	sst s0  }
0x18: {  	s0 =	sld [smem:$0x3F98];
	_ =	swait.ge [sflag:s4], $0x0  }
0x19: {  	s7 =	sld [smem:$0x3F99]  }
0x1a: {  	s8 =	sadd.s32 $0xFFFFE003, lr  }
0x1b: {  	s9 =	sadd.s32 $0xFFFFFEF7, lr;
	s5 =	simm.s32 $0xFFFFFFFF;
	p2 =	slt.u32 s8, $0xFFFFF086  }
0x1c: {  	p1 =	slt.u32 s9, $0xF7A;
	s5 =	simm.s32 @!p2 $0x0  }
0x1d: {  	s5 =	simm.s32 @p1 $0x1;
	p0 =	seq.s32 s7, s2  }
0x1e: {  	s7 =	smul.u32 @!p0 $0xF7A, s2;
	p2 =	seq.s32 @!p0 s5, $0x0  }
0x1f: {  	s9 =	smul.u32 $0xF7A, s1;
	s8 =	simm.s32 @!p0 $0x1BF5;
	p2 =	por !p2, p0  }
0x20: {  	[sflag:s8] =	ssyncset.s32 @!p0 $0xFFFFF086;
	s6 =	sadd.s32 @!p0 s3, s7;
	s7 =	simm.s32 @!p0 $0x108  }
0x21: {  	s3 =	sadd.s32 s3, s9;
	s6 =	sadd.s32 @!p0 $0x88, s6;
	s7 =	simm.s32 @p2 $0x1082  }
0x22: {  	[simem:s7], [sflag:s8] =	dma.local @!p0 [hbm:s6], $0xF7A  }
0x23: {  	s9 =	sor.u32 $0xD0000000, s2;
	s6 =	simm.s32 $0x108;
	_ =	swait.ge @!p0 [sflag:s8], $0x0  }
0x24: {  	s3 =	sadd.s32 $0x88, s3;
	s6 =	simm.s32 @!p1 $0x1082;
	[sflag:s4] =	ssyncset.s32 $0xFFFFF086  }
0x25: {  	[simem:s6], [sflag:s4] =	dma.local [hbm:s3], $0xF7A  }
0x26: {  	[smem:$0x3F99] =	sst s1;
	(tag) =	ssettag s2;
	_ =	strace s9  }
0x27: {  	s1 =	sld [smem:$0x3FA9]  }
0x28: {  	s2 =	sld [smem:$0x3FAA]  }
0x29: {  	s4 =	sld [smem:$0x3FAC]  }
0x2a: {  	p0 =	seq.s32 s5, $0x0;
	s5 =	sld [smem:$0x3FAD]  }
0x2b: {  	s6 =	sld [smem:$0x3FAE]  }
0x2c: {  	s7 =	sld [smem:$0x3FAF]  }
0x2d: {  	s3 =	simm.s32 $0x108;
	s8 =	sld [smem:$0x3FB0]  }
0x2e: {  	s3 =	simm.s32 @!p0 $0x1082;
	s9 =	sld [smem:$0x3FB1]  }
0x2f: {  	lr =	sadd.s32 s0, s3;
	s0 =	sld [smem:$0x3FA8]  }
0x30: {  	s3 =	sld [smem:$0x3FAB]  }
0x31: {  	[smem:$0x3FB4] =	sst s10  }
0x32: {  	s10 =	sld [smem:$0x3FB2];
	_ =	sdelay $0x3  }
0x33: {  	p0 =	seq.s32 s10, $0x1;
	s10 =	sld [smem:$0x3FB4];
	_ =	sdelay $0x3  }
0x34: {  	[smem:$0x3FB4] =	sst s10  }
0x35: {  	s10 =	sld [smem:$0x3FB3];
	_ =	sdelay $0x3  }
0x36: {  	p1 =	seq.s32 s10, $0x1;
	s10 =	sld [smem:$0x3FB4];
	_ =	sdelay $0x3  }
0x37: {  	[smem:$0x3FB4] =	sst s10  }
0x38: {  	s10 =	sld [smem:$0x3FB5]  }
0x39: {  	_ = 	snop;
	(pc) =	sbr.ind lr, $3  }
0x3a: {  	_ = 	snop  }
0x3b: {  	_ = 	snop  }
0x3c: {  	p2 =	seq.s32 s10, $0x1;
	s10 =	sld [smem:$0x3FB4]  }
0x3d: {  	_ =	shalt  }
0x3e: {  	_ =	shalt  }
0x3f: {  	_ =	shalt  }
0x40: {  	_ =	shalt  }
0x41: {  	_ =	shalt  }
0x42: {  	_ =	shalt  }
0x43: {  	_ =	shalt  }
0x44: {  	_ =	shalt  }
0x45: {  	_ =	shalt  }
0x46: {  	_ =	shalt  }
0x47: {  	_ =	shalt  }
0x48: {  	_ =	shalt  }
0x49: {  	_ =	shalt  }
0x4a: {  	_ =	shalt  }
0x4b: {  	_ =	shalt  }
0x4c: {  	_ =	shalt  }
0x4d: {  	_ =	shalt  }
0x4e: {  	_ =	shalt  }
0x4f: {  	_ =	shalt  }
0x50: {  	_ =	shalt  }
0x51: {  	_ =	shalt  }
0x52: {  	_ =	shalt  }
0x53: {  	_ =	shalt  }
0x54: {  	_ =	shalt  }
0x55: {  	_ =	shalt  }
0x56: {  	_ =	shalt  }
0x57: {  	_ =	shalt  }
0x58: {  	_ =	shalt  }
0x59: {  	_ =	shalt  }
0x5a: {  	_ =	shalt  }
0x5b: {  	_ =	shalt  }
0x5c: {  	_ =	shalt  }
0x5d: {  	_ =	shalt  }
0x5e: {  	_ =	shalt  }
0x5f: {  	_ =	shalt  }
0x60: {  	_ =	shalt  }
0x61: {  	_ =	shalt  }
0x62: {  	_ =	shalt  }
0x63: {  	_ =	shalt  }
0x64: {  	_ =	shalt  }
0x65: {  	_ =	shalt  }
0x66: {  	_ =	shalt  }
0x67: {  	_ =	shalt  }
0x68: {  	_ =	shalt  }
0x69: {  	_ =	shalt  }
0x6a: {  	_ =	shalt  }
0x6b: {  	_ =	shalt  }
0x6c: {  	_ =	shalt  }
0x6d: {  	_ =	shalt  }
0x6e: {  	_ =	shalt  }
0x6f: {  	_ =	shalt  }
0x70: {  	_ =	shalt  }
0x71: {  	_ =	shalt  }
0x72: {  	_ =	shalt  }
0x73: {  	_ =	shalt  }
0x74: {  	_ =	shalt  }
0x75: {  	_ =	shalt  }
0x76: {  	_ =	shalt  }
0x77: {  	_ =	shalt  }
0x78: {  	_ =	shalt  }
0x79: {  	_ =	shalt  }
0x7a: {  	_ =	shalt  }
0x7b: {  	_ =	shalt  }
0x7c: {  	_ =	shalt  }
0x7d: {  	_ =	shalt  }
0x7e: {  	_ =	shalt  }
0x7f: {  	_ =	shalt  }
0x80: {  	_ =	shalt  }
0x81: {  	_ =	shalt  }
0x82: {  	_ =	shalt  }
0x83: {  	_ =	shalt  }
0x84: {  	_ =	shalt  }
0x85: {  	_ =	shalt  }
0x86: {  	_ =	shalt  }
0x87: {  	_ =	shalt  }
.Lfunc_end0:
.L_simem_size_0:
called_computation_lowered:
.L_overlay_start_0:
0x88: {  	s2 =	sld [smem:$0x3FD9]  }
0x89: {  	s3 =	sld [smem:$0x3FFE];
	_ =	sdelay $0x1  }
0x8a: {  	s1 =	srdreg.scid  }
0x8b: {  	s0 =	sand.u32 $0x1, s1  }
0x8c: {  	s14 =	sshll.u32 s0, $0xA;
	s2 =	sadd.s32 s3, s2  }
0x8d: {  	s2 =	sadd.s32 s2, s14  }
0x8e: {  	[smem:$0x3FC0] =	sst s2  }
0x8f: {  	_ = 	snop  }
0x90: {  	s2 =	sld [smem:$0x3FD0];
	_ =	sdelay $0x1  }
0x91: {  	s15 =	sld [smem:$0x3FC9]  }
0x92: {  	s5 =	simm.s32 $0xA;
	s6 =	simm.s32 $0x10;
	s4 =	sld [smem:$0x3FC3]  }
0x93: {  	[smem:s6], [sflag:s5] =	dma.local [hbm:s2], $0x1  }
0x94: {  	_ =	swait.eq [sflag:s5], $0x1  }
0x95: {  	[sflag:s5] =	ssyncset.done $0x0  }
0x96: {  	[sflag:s5] =	ssyncadd.s32 $0xFFFFFFFF  }
0x97: {  	s16 =	sld [smem:$0x10];
	(tm) =	ssettm $0x1  }
0x98: {  	s17 =	sld [smem:$0x3FFB];
	_ =	sdelay $0x3  }
0x99: {  	_ =	strace s17  }
0x9a: {  	s5 =	sld [smem:$0x3FFC];
	_ =	sdelay $0x3  }
0x9b: {  	_ =	strace s5  }
0x9c: {  	s5 =	sld [smem:$0x3FFD];
	_ =	sdelay $0x3  }
0x9d: {  	_ =	strace s5  }
0x9e: {  	_ =	strace $0x8FFFFFFF  }
0x9f: {  	s18 =	sld [smem:$0x3FDB];
	_ =	sdelay $0x1  }
0xa0: {  	s19 =	simm.s32 $_scs_section_size  }
0xa1: {  	s7 =	simm.s32 $_size__tile_overlayer_lowered;
	s8 =	simm.s32 $_tile_overlayer_lowered  }
0xa2: {  	s22 =	simm.s32 $0x1BFF;
	s21 =	sshll.u32 s8, $0x1;
	s5 =	sadd.s32 s19, s18  }
0xa3: {  	s9 =	simm.s32 $0x0;
	s20 =	sshll.u32 s7, $0x1;
	s7 =	sadd.s32 s21, s5  }
0xa4: {  	[timem:s9], [sflag:s22] =	dma.local [hbm:s7], s20  }
0xa5: {  	_ =	swait.ge [sflag:s22], s20  }
0xa6: {  	s6 =	ssub.s32 $0x0, s20;
	[sflag:s22] =	ssyncset.done $0x0  }
0xa7: {  	[sflag:s22] =	ssyncadd.s32 s6;
	_ =	sdelay $0x1  }
0xa8: {  	s23 =	simm.s32 $0x1B8B  }
0xa9: {  	_ =	swait.ge [sflag:s23], $0x1  }
0xaa: {  	[sflag:s23] =	ssyncset.done $0x0  }
0xab: {  	s25 =	simm.s32 $0x1B8E;
	s24 =	sld [smem:$0x3FFE];
	[sflag:s23] =	ssyncadd.s32 $0xFFFFFFFF  }
0xac: {  	s26 =	simm.s32 $execute0_lowered;
	[smem:$0x3FD2] =	sst s25  }
0xad: {  	s7 =	sshll.u32 s26, $0x1;
	_ =	strace $0x80000046;
	[dreg:$0x1] =	wrdreg $0xFFFFFFFF  }
0xae: {  	s28 =	simm.s32 $_size_execute0_lowered;
	s5 =	sadd.s32 s5, s7;
	[dreg:$0x0] =	wrdreg $0x0  }
0xaf: {  	s7 =	sshll.u32 s28, $0x1;
	[dreg:$0x2] =	wrdreg s5  }
0xb0: {  	[dreg:$0x3] =	wrdreg s7  }
0xb1: {  	[dreg:$0x4] =	wrdreg $0xC0  }
0xb2: {  	_ =	task [dreg:s9], $0x5FFFF  }
0xb3: {  	[dreg:$0x1] =	wrdreg $0xFFFFFFFF  }
0xb4: {  	[dreg:$0x0] =	wrdreg $0x60  }
0xb5: {  	[dreg:$0x2] =	wrdreg s15  }
0xb6: {  	[dreg:$0x3] =	wrdreg s24  }
0xb7: {  	[dreg:$0x4] =	wrdreg s4  }
0xb8: {  	[dreg:$0x5] =	wrdreg s16  }
0xb9: {  	[dreg:$0x6] =	wrdreg $0x0  }
0xba: {  	[dreg:$0x7] =	wrdreg $0x13AF80  }
0xbb: {  	[dreg:$0x8] =	wrdreg $0x138800  }
0xbc: {  	[dreg:$0x9] =	wrdreg $0x9  }
0xbd: {  	_ =	task.clear_ibuf [dreg:s9], $0xAFFFF;
	_ =	strace $0x90000046  }
0xbe: {  	s29 =	simm.s32 $0x9;
	_ =	strace $0x80000048  }
0xbf: {  	_ =	swait.ge [sflag:s29], $0x1  }
0xc0: {  	[sflag:s29] =	ssyncadd.s32 $0xFFFFFFFF  }
0xc1: {  	_ =	strace $0x90000048  }
0xc2: {  	_ =	sfence  }
0xc3: {  	s30 =	sld [smem:$0x0];
	_ =	sdelay $0x2  }
0xc4: {  	s31 =	sshll.u32 s1, $0xD;
	s1 =	sshrl.u32 s1, $0x2  }
0xc5: {  	s3 =	sand.u32 $0x4000, s31;
	s1 =	sadd.s32 s1, s30  }
0xc6: {  	s0 =	sor.u32 s3, s0;
	s1 =	sshll.u32 s1, $0x11  }
0xc7: {  	s0 =	sor.u32 s1, s0  }
0xc8: {  	s0 =	sadd.s32 $0x8F2B, s0  }
0xc9: {  	[sflag:s0] =	ssyncadd.remote.s32 $0x1  }
0xca: {  	_ =	sfence.sel $0xFFFF  }
0xcb: {  	[dreg:$0x0] =	wrdreg $0xFFFFFFFF;
	(pc) =	sbr.abs _section_cstart, $3  }
0xcc: {  	[dreg:$0x1] =	wrdreg $0xFFFFFFFF  }
0xcd: {  	_ =	task.clear_ibuf [dreg:s9], $0x2FFFF;
	_ =	strace $0x9FFFFFFF  }
0xce: {  	(tm) =	ssettm $0x7FFFFFFF  }
0xcf: {  	_ =	shalt  }
tec
execute0_lowered:
.L_overlay_start_1:
0x0: {  	(tag) =	ssettag $0x1  }
0x1: {  	s0 =	rddreg [dreg:$0x0]  }
0x2: {  	s1 =	rddreg [dreg:$0x1]  }
0x3: {  	s3 =	rddreg [dreg:$0x3]  }
0x4: {  	s2 =	rddreg [dreg:$0x4]  }
0x5: {  	s4 =	srdreg.scid;
	s5 =	rddreg [dreg:$0x5]  }
0x6: {  	s15 =	stileid.u32;
	s6 =	rddreg [dreg:$0x6]  }
0x7: {  	s9 =	simm.s32 $0x0;
	s29 =	simm.s32 $0x13F78;
	s30 =	simm.s32 $0x3  }
0x8: {  	s4 =	sand.u32 $0x1, s4;
	s7 =	sshll.u32 s15, $0x1;
	s20 =	smul.u32 $0x4E000, s15  }
0x9: {  	[smem:$0x7FF] =	sst s9;
	s10 =	sadd.s32 $0x40400, s1;
	s12 =	smul.u32 $0x270, s15  }
0xa: {  	s21 =	smul.u32 $0x13800, s15;
	p0 =	sne.s32 s15, $0x0;
	s31 =	sadd.s32 $0x2700, s6  }
0xb: {  	s9 =	simm.s32 $0x13DF8;
	s11 =	ssub.s32 $0x2, s4;
	s14 =	smul.u32 $0x138800, s4  }
0xc: {  	s15 =	simm.s32 $0x2;
	s7 =	sor.u32 s4, s7;
	s13 =	sshrl.u32 s11, $0x1  }
0xd: {  	s8 =	smul.u32 $0x1F40, s7;
	s11 =	ssub.s32 s11, s13;
	s13 =	sadd.s32 s21, s14  }
0xe: {  	_ =	strace $0x80000047;
	[dreg:$0x16] =	wrdreg s31;
	s13 =	sshrl.u32 s13, $0x3  }
0xf: {  	s19 =	sadd.s32 s8, s1;
	s8 =	sshrl.u32 s20, $0x2;
	s13 =	sadd.s32 s10, s13  }
0x10: {  	s4 =	smul.u32 $0x2710, s4;
	s8 =	sadd.s32 s8, s2;
	[dreg:$0xe] =	wrdreg s13  }
0x11: {  	s14 =	sshrl.u32 s14, $0x3;
	s19 =	sadd.s32 $0x1C00, s19;
	[dreg:$0x15] =	wrdreg s8  }
0x12: {  	s20 =	smul.u32 $0x7D, s7;
	s16 =	sadd.s32 $0x2800, s8;
	[dreg:$0x11] =	wrdreg s19  }
0x13: {  	s7 =	simm.s32 $0x13BF8;
	s22 =	sadd.s32 $0x5000, s8;
	[dreg:$0x8] =	wrdreg s16  }
0x14: {  	s10 =	sadd.s32 s10, s14;
	s23 =	sadd.s32 $0x7800, s8;
	[dreg:$0x9] =	wrdreg s22  }
0x15: {  	s14 =	simm.s32 $0x1B778;
	s24 =	sadd.s32 $0xA000, s8;
	[dreg:$0xa] =	wrdreg s23  }
0x16: {  	s25 =	sadd.s32 $0xC800, s8;
	s26 =	sadd.s32 $0xF000, s8;
	[dreg:$0xb] =	wrdreg s24  }
0x17: {  	s17 =	sadd.s32 $0x11800, s8;
	s21 =	sadd.s32 $0x27000, s10;
	[dreg:$0xc] =	wrdreg s25  }
0x18: {  	s28 =	sadd.s32 $0x1, s20;
	s10 =	simm.s32 $0x16778;
	[dreg:$0xd] =	wrdreg s26  }
0x19: {  	s16 =	sadd.s32 s12, s4;
	[dreg:$0xf] =	wrdreg s17;
	s24 =	sadd.s32 s12, s6  }
0x1a: {  	s4 =	sshrl.u32 s4, $0x3;
	s25 =	sadd.s32 $0x138000, s2;
	s22 =	sadd.s32 $0x1C40, s1  }
0x1b: {  	[dreg:$0x12] =	wrdreg s21;
	s26 =	smax.u32 s11, $0x1;
	s1 =	simm.s32 $0x50  }
0x1c: {  	s11 =	simm.s32 $0x1;
	s12 =	simm.s32 $0x13C78;
	s13 =	sshrl.u32 s16, $0x3  }
0x1d: {  	[dreg:$0x14] =	wrdreg s26;
	s26 =	simm.s32 $0x1B7F8;
	s16 =	simm.s32 $0x13E78  }
0x1e: {  	s18 =	sadd.s32 s3, s13;
	s3 =	sadd.s32 s3, s4;
	s4 =	simm.s32 $0x13B78  }
0x1f: {  	s13 =	simm.s32 $0x18F78;
	[dreg:$0x10] =	wrdreg s18;
	s23 =	sadd.s32 $0x4E0, s3  }
0x20: {  	v0 =	vimm.f32 $1.000000000e+00;
	v1 =	vimm.f32 $0.0e+00;
	s3 =	simm.s32 $0x13D78;
	s18 =	simm.s32 $0x0;
	[dreg:$0x13] =	wrdreg s23  }
.LBB2_1:
0x21: {  	[tilespmem:$0x1B778] =	vst v0  }
0x22: {  	[tilespmem:$0x1B788] =	vst v0  }
0x23: {  	[tilespmem:$0x1B798] =	vst v0  }
0x24: {  	[tilespmem:$0x1B7A8] =	vst v0  }
0x25: {  	[tilespmem:$0x1B7B8] =	vst v0  }
0x26: {  	[tilespmem:$0x1B7F8] =	vst v1  }
0x27: {  	[tilespmem:$0x1B808] =	vst v1  }
0x28: {  	[tilespmem:$0x1B818] =	vst v1  }
0x29: {  	[tilespmem:$0x1B828] =	vst v1  }
0x2a: {  	[tilespmem:$0x1B838] =	vst v1  }
0x2b: {  	[tilespmem:$0x1B848] =	vst v1  }
0x2c: {  	[tilespmem:$0x1B858] =	vst v1  }
0x2d: {  	[tilespmem:$0x1B868] =	vst v1  }
0x2e: {  	[tilespmem:$0x1B878] =	vst v1  }
0x2f: {  	[tilespmem:$0x1B888] =	vst v1  }
0x30: {  	[tilespmem:$0x1B898] =	vst v1  }
0x31: {  	[tilespmem:$0x1B8A8] =	vst v1  }
0x32: {  	[tilespmem:$0x1B8B8] =	vst v1  }
0x33: {  	[tilespmem:$0x1B8C8] =	vst v1  }
0x34: {  	[tilespmem:$0x1B8D8] =	vst v1  }
0x35: {  	[tilespmem:$0x1B8E8] =	vst v1  }
0x36: {  	[tilespmem:$0x1B8F8] =	vst v1  }
0x37: {  	[tilespmem:$0x1B908] =	vst v1  }
0x38: {  	[tilespmem:$0x1B918] =	vst v1  }
0x39: {  	[tilespmem:$0x1B928] =	vst v1  }
0x3a: {  	[tilespmem:$0x1B938] =	vst v1  }
0x3b: {  	[tilespmem:$0x1B948] =	vst v1  }
0x3c: {  	[tilespmem:$0x1B958] =	vst v1  }
0x3d: {  	[tilespmem:$0x1B968] =	vst v1  }
0x3e: {  	[tilespmem:$0x1B978] =	vst v1  }
0x3f: {  	[tilespmem:$0x1B988] =	vst v1  }
0x40: {  	[tilespmem:$0x1B998] =	vst v1  }
0x41: {  	[tilespmem:$0x1B9A8] =	vst v1  }
0x42: {  	[tilespmem:$0x1B9B8] =	vst v1  }
0x43: {  	[tilespmem:$0x1B9C8] =	vst v1  }
0x44: {  	[tilespmem:$0x1B9D8] =	vst v1  }
0x45: {  	[tilespmem:$0x1B9E8] =	vst v1  }
0x46: {  	[tilespmem:$0x1B9F8] =	vst v1  }
0x47: {  	[tilespmem:$0x1BA08] =	vst v1  }
0x48: {  	[tilespmem:$0x1BA18] =	vst v1  }
0x49: {  	[tilespmem:$0x1BA28] =	vst v1  }
0x4a: {  	[tilespmem:$0x1BA38] =	vst v1  }
0x4b: {  	[tilespmem:$0x1BA48] =	vst v1  }
0x4c: {  	[tilespmem:$0x1BA58] =	vst v1;
	s21 =	simm.s32 @!p0 $0x0;
	s23 =	simm.s32 @!p0 $0x13F78;
	s17 =	rddreg [dreg:$0x2]  }
0x4d: {  	[tilespmem:s23], [sflag:$0x3] =	stream.linear.gather @!p0 [hbm4b:s17+s21], $0x800, $0x38;
	[tilespmem:$0x1BA78] =	vst v63  }
0x4e: {  	s21 =	simm.s32 @!p0 $0x3  }
0x4f: {  	_ =	swait.ge @!p0 [sflag:s21], $0x800  }
0x50: {  	[sflag:s21] =	ssyncset.done @!p0 $0x0  }
0x51: {  	[sflag:s21] =	ssyncadd.s32 @!p0 $0xFFFFF800  }
0x52: {  	[spmem:s5] =	stream.linear.scatter @!p0 [tilespmem:s23], [sflag:$0x3], $0x800, $0x38;
	[tilespmem:$0x1BA78] =	vst v63  }
0x53: {  	_ =	swait.ge @!p0 [sflag:s21], $0x800  }
0x54: {  	[sflag:s21] =	ssyncset.done @!p0 $0x0  }
0x55: {  	s23 =	simm.s32 $0x200;
	[sflag:s21] =	ssyncadd.s32 @!p0 $0xFFFFF800;
	s21 =	simm.s32 $0x0  }
.LBB2_2:
0x56: {  	p1 =	sne.s32 s23, $0x9E00;
	[tilespmem:s21+$0x13FE8] =	vst v1  }
0x57: {  	[tilespmem:s21+$0x13F78] =	vst v1  }
0x58: {  	[tilespmem:s21+$0x13F88] =	vst v1  }
.Ltmp0:
0x59: {  	[tilespmem:s21+$0x13F98] =	vst v1;
	(pc) =	sbr.rel @p1 .LBB2_2-.Ltmp0, $4  }
0x5a: {  	[tilespmem:s21+$0x13FA8] =	vst v1  }
0x5b: {  	[tilespmem:s21+$0x13FB8] =	vst v1  }
0x5c: {  	[tilespmem:s21+$0x13FC8] =	vst v1  }
0x5d: {  	[tilespmem:s21+$0x13FD8] =	vst v1;
	s21 =	sshra.s32 s23, $0x2;
	s23 =	sadd.s32 $0x200, s23  }
0x5e: {  	[tilespmem:s21+$0x13FE8] =	vst v1  }
0x5f: {  	[tilespmem:s21+$0x13F78] =	vst v1  }
0x60: {  	[tilespmem:s21+$0x13F88] =	vst v1  }
0x61: {  	[tilespmem:s21+$0x13F98] =	vst v1  }
0x62: {  	[tilespmem:s21+$0x13FA8] =	vst v1  }
0x63: {  	[tilespmem:s21+$0x13FB8] =	vst v1  }
0x64: {  	[tilespmem:s21+$0x13FC8] =	vst v1  }
0x65: {  	[tilespmem:s21+$0x13FD8] =	vst v1;
	s8 =	rddreg [dreg:$0x15]  }
0x66: {  	[spmem:s8] =	stream.linear.scatter [tilespmem:s29], [sflag:$0x3], $0x2800, $0x38;
	[tilespmem:$0x1BA78] =	vst v63  }
0x67: {  	_ =	swait.ge [sflag:s30], $0x2800  }
0x68: {  	[sflag:s30] =	ssyncset.done $0x0  }
0x69: {  	s17 =	rddreg [dreg:$0x8];
	[sflag:s30] =	ssyncadd.s32 $0xFFFFD800  }
0x6a: {  	[spmem:s17] =	stream.linear.scatter [tilespmem:s29], [sflag:$0x3], $0x2800, $0x38;
	[tilespmem:$0x1BA78] =	vst v63  }
0x6b: {  	_ =	swait.ge [sflag:s30], $0x2800  }
0x6c: {  	[sflag:s30] =	ssyncset.done $0x0  }
0x6d: {  	s21 =	rddreg [dreg:$0x9];
	[sflag:s30] =	ssyncadd.s32 $0xFFFFD800  }
0x6e: {  	[spmem:s21] =	stream.linear.scatter [tilespmem:s29], [sflag:$0x3], $0x2800, $0x38;
	[tilespmem:$0x1BA78] =	vst v63  }
0x6f: {  	_ =	swait.ge [sflag:s30], $0x2800  }
0x70: {  	[sflag:s30] =	ssyncset.done $0x0  }
0x71: {  	s23 =	rddreg [dreg:$0xa];
	[sflag:s30] =	ssyncadd.s32 $0xFFFFD800  }
0x72: {  	[spmem:s23] =	stream.linear.scatter [tilespmem:s29], [sflag:$0x3], $0x2800, $0x38;
	[tilespmem:$0x1BA78] =	vst v63  }
0x73: {  	_ =	swait.ge [sflag:s30], $0x2800  }
0x74: {  	[sflag:s30] =	ssyncset.done $0x0  }
0x75: {  	s8 =	rddreg [dreg:$0xb];
	[sflag:s30] =	ssyncadd.s32 $0xFFFFD800  }
0x76: {  	[spmem:s8] =	stream.linear.scatter [tilespmem:s29], [sflag:$0x3], $0x2800, $0x38;
	[tilespmem:$0x1BA78] =	vst v63  }
0x77: {  	_ =	swait.ge [sflag:s30], $0x2800  }
0x78: {  	[sflag:s30] =	ssyncset.done $0x0  }
0x79: {  	s19 =	rddreg [dreg:$0xc];
	[sflag:s30] =	ssyncadd.s32 $0xFFFFD800  }
0x7a: {  	[spmem:s19] =	stream.linear.scatter [tilespmem:s29], [sflag:$0x3], $0x2800, $0x38;
	[tilespmem:$0x1BA78] =	vst v63  }
0x7b: {  	_ =	swait.ge [sflag:s30], $0x2800  }
0x7c: {  	[sflag:s30] =	ssyncset.done $0x0  }
0x7d: {  	s21 =	rddreg [dreg:$0xd];
	[sflag:s30] =	ssyncadd.s32 $0xFFFFD800  }
0x7e: {  	[spmem:s21] =	stream.linear.scatter [tilespmem:s29], [sflag:$0x3], $0x2800, $0x38;
	[tilespmem:$0x1BA78] =	vst v63  }
0x7f: {  	_ =	swait.ge [sflag:s30], $0x2800  }
0x80: {  	[sflag:s30] =	ssyncset.done $0x0  }
0x81: {  	s23 =	rddreg [dreg:$0xf];
	[sflag:s30] =	ssyncadd.s32 $0xFFFFD800  }
0x82: {  	[spmem:s23] =	stream.linear.scatter [tilespmem:s29], [sflag:$0x3], $0x2000, $0x38;
	[tilespmem:$0x1BA78] =	vst v63  }
0x83: {  	_ =	swait.ge [sflag:s30], $0x2000  }
0x84: {  	[sflag:s30] =	ssyncset.done $0x0  }
0x85: {  	[sflag:s30] =	ssyncadd.s32 $0xFFFFE000  }
0x86: {  	[spmem:s24] =	stream.linear.scatter [tilespmem:s26], [sflag:$0x3], $0x270, $0x38;
	[tilespmem:$0x1BA78] =	vst v63  }
0x87: {  	_ =	swait.ge [sflag:s30], $0x270  }
0x88: {  	[sflag:s30] =	ssyncset.done $0x0  }
0x89: {  	s21 =	simm.s32 @!p0 $0x13F78;
	[sflag:s30] =	ssyncadd.s32 $0xFFFFFD90  }
0x8a: {  	[spmem:s25] =	stream.linear.scatter @!p0 [tilespmem:s21], [sflag:$0x3], $0x800, $0x38;
	[tilespmem:$0x1BA78] =	vst v63  }
0x8b: {  	s21 =	simm.s32 @!p0 $0x3  }
0x8c: {  	_ =	swait.ge @!p0 [sflag:s21], $0x800  }
0x8d: {  	[sflag:s21] =	ssyncset.done @!p0 $0x0  }
0x8e: {  	s23 =	simm.s32 @!p0 $0x1B7F8;
	[sflag:s21] =	ssyncadd.s32 @!p0 $0xFFFFF800  }
0x8f: {  	[spmem:s31] =	stream.linear.scatter @!p0 [tilespmem:s23], [sflag:$0x3], $0x10, $0x38;
	[tilespmem:$0x1BA78] =	vst v63  }
0x90: {  	_ =	swait.ge @!p0 [sflag:s21], $0x10  }
0x91: {  	[sflag:s21] =	ssyncset.done @!p0 $0x0  }
0x92: {  	[sflag:s21] =	ssyncadd.s32 @!p0 $0xFFFFFFF0  }
0x93: {  	[bflag:$0x0] =	sbarrier.arrive $0xFFFF  }
0x94: {  	s21 =	simm.s32 $0x0;
	s31 =	rddreg [dreg:$0x11]  }
0x95: {  	[tilespmem:s4], [sflag:$0x3] =	stream.linear.gather [hbm4b:s31+s21], $0x180, $0x38;
	[tilespmem:$0x1BA78] =	vst v63  }
0x96: {  	_ =	swait.ge [sflag:s30], $0x180  }
0x97: {  	s8 =	smov.u32 s25;
	[sflag:s30] =	ssyncset.done $0x0  }
0x98: {  	s19 =	smov.u32 s24;
	s23 =	simm.s32 $0x0;
	[sflag:s30] =	ssyncadd.s32 $0xFFFFFE80  }
0x99: {  	[tilespmem:s29], [sflag:$0x1] =	stream.indirect.gather [hbm4b:s0+s1], $0x80, s7, s1, $0xb8;
	[tilespmem:$0x1BA78] =	vst v63  }
.LBB2_4:
0x9a: {  	s24 =	sshll.u32 s23, $0x1  }
0x9b: {  	s25 =	sadd.s32 s20, s24  }
0x9c: {  	s25 =	sshll.u32 s25, $0x6  }
0x9d: {  	s25 =	sadd.s32 s25, s22  }
0x9e: {  	[tilespmem:s3], [sflag:$0x3] =	stream.linear.gather [hbm4b:s25+s21], $0x180, $0x38;
	[tilespmem:$0x1BA78] =	vst v63  }
0x9f: {  	_ =	swait.ge [sflag:s30], $0x180  }
0xa0: {  	[sflag:s30] =	ssyncset.done $0x0  }
0xa1: {  	[sflag:s30] =	ssyncadd.s32 $0xFFFFFE80  }
0xa2: {  	[tilespmem:s10], [sflag:$0x2] =	stream.indirect.gather [hbm4b:s0+s1], $0x80, s9, s1, $0xb8;
	[tilespmem:$0x1BA78] =	vst v63  }
0xa3: {  	_ =	swait.ge [sflag:s11], $0x2800  }
0xa4: {  	[sflag:s11] =	ssyncset.done $0x0  }
0xa5: {  	[sflag:s11] =	ssyncadd.s32 $0xFFFFD800  }
0xa6: {  	[tilespmem:s13], [sflag:$0x3] =	stream.indirect.gather [spmem:s5], $0x80, s12, s1, $0xb8;
	[tilespmem:$0x1BA78] =	vst v63  }
0xa7: {  	_ =	swait.ge [sflag:s30], $0x2800  }
0xa8: {  	[sflag:s30] =	ssyncset.done $0x0  }
0xa9: {  	s25 =	simm.s32 $0x0;
	[sflag:s30] =	ssyncadd.s32 $0xFFFFD800  }
0xaa: {  	v9 =	vld [tilespmem:s25+$0x18F78]  }
0xab: {  	v13 =	vld [tilespmem:s25+$0x18F88]  }
0xac: {  	v7 =	vld [tilespmem:s25+$0x18F98]  }
0xad: {  	v6 =	vld [tilespmem:s25+$0x18FA8]  }
0xae: {  	v5 =	vld [tilespmem:s25+$0x18FB8]  }
0xaf: {  	v4 =	vld [tilespmem:s25+$0x18FC8]  }
0xb0: {  	v3 =	vld [tilespmem:s25+$0x18FD8]  }
0xb1: {  	v2 =	vld [tilespmem:s25+$0x18FE8]  }
0xb2: {  	v14 =	vld [tilespmem:s25+$0x13F78]  }
0xb3: {  	v15 =	vld [tilespmem:s25+$0x13F88]  }
0xb4: {  	v12 =	vld [tilespmem:s25+$0x13F98]  }
0xb5: {  	v11 =	vld [tilespmem:s25+$0x13FA8]  }
0xb6: {  	v10 =	vld [tilespmem:s25+$0x13FB8]  }
0xb7: {  	v8 =	vld [tilespmem:s25+$0x13FC8];
	v14 =	vmul.f32 v9, v14  }
0xb8: {  	s31 =	simm.s32 $0x200;
	v13 =	vmul.f32 v13, v15;
	v9 =	vld [tilespmem:s25+$0x13FD8]  }
.LBB2_5:
0xb9: {  	s17 =	sshra.s32 s31, $0x2;
	p1 =	sne.s32 s31, $0x9E00;
	[tilespmem:s25+$0x13F78] =	vst v14;
	v7 =	vmul.f32 v7, v12;
	v12 =	vld [tilespmem:s25+$0x13FE8]  }
0xba: {  	v14 =	vld [tilespmem:s17+$0x18F78];
	[tilespmem:s25+$0x13F88] =	vst v13;
	v6 =	vmul.f32 v6, v11  }
0xbb: {  	v13 =	vld [tilespmem:s17+$0x18F88];
	[tilespmem:s25+$0x13F98] =	vst v7;
	v5 =	vmul.f32 v5, v10  }
0xbc: {  	v7 =	vld [tilespmem:s17+$0x18F98];
	[tilespmem:s25+$0x13FA8] =	vst v6;
	v4 =	vmul.f32 v4, v8  }
0xbd: {  	v6 =	vld [tilespmem:s17+$0x18FA8];
	[tilespmem:s25+$0x13FB8] =	vst v5;
	v3 =	vmul.f32 v3, v9  }
0xbe: {  	v5 =	vld [tilespmem:s17+$0x18FB8];
	[tilespmem:s25+$0x13FC8] =	vst v4;
	v2 =	vmul.f32 v2, v12  }
0xbf: {  	v4 =	vld [tilespmem:s17+$0x18FC8];
	[tilespmem:s25+$0x13FD8] =	vst v3  }
0xc0: {  	v3 =	vld [tilespmem:s17+$0x18FD8];
	[tilespmem:s25+$0x13FE8] =	vst v2;
	s25 =	smov.u32 s17  }
0xc1: {  	v2 =	vld [tilespmem:s25+$0x18FE8]  }
0xc2: {  	v8 =	vld [tilespmem:s25+$0x13F78]  }
0xc3: {  	v9 =	vld [tilespmem:s25+$0x13F88]  }
.Ltmp1:
0xc4: {  	v12 =	vld [tilespmem:s25+$0x13F98];
	(pc) =	sbr.rel @p1 .LBB2_5-.Ltmp1, $4  }
0xc5: {  	v11 =	vld [tilespmem:s25+$0x13FA8]  }
0xc6: {  	v10 =	vld [tilespmem:s25+$0x13FB8]  }
0xc7: {  	v14 =	vmul.f32 v14, v8;
	v8 =	vld [tilespmem:s25+$0x13FC8]  }
0xc8: {  	s31 =	sadd.s32 $0x200, s31;
	v13 =	vmul.f32 v13, v9;
	v9 =	vld [tilespmem:s25+$0x13FD8]  }
0xc9: {  	[tilespmem:s25+$0x13F78] =	vst v14;
	v7 =	vmul.f32 v7, v12;
	v12 =	vld [tilespmem:s25+$0x13FE8]  }
0xca: {  	[tilespmem:s25+$0x13F88] =	vst v13;
	v6 =	vmul.f32 v6, v11  }
0xcb: {  	[tilespmem:s25+$0x13F98] =	vst v7;
	v5 =	vmul.f32 v5, v10  }
0xcc: {  	[tilespmem:s25+$0x13FA8] =	vst v6;
	v4 =	vmul.f32 v4, v8  }
0xcd: {  	[tilespmem:s25+$0x13FB8] =	vst v5;
	v3 =	vmul.f32 v3, v9  }
0xce: {  	[tilespmem:s25+$0x13FC8] =	vst v4;
	v2 =	vmul.f32 v2, v12  }
0xcf: {  	[tilespmem:s25+$0x13FD8] =	vst v3  }
0xd0: {  	[tilespmem:s25+$0x13FE8] =	vst v2  }
0xd1: {  	[spmem:s2] =	stream.indirect.scatter.add.f32 [tilespmem:s29], [sflag:$0x3], $0x80, s4, s1, $0xb8;
	[tilespmem:$0x1BA78] =	vst v63  }
0xd2: {  	_ =	swait.ge [sflag:s30], $0x2800  }
0xd3: {  	[sflag:s30] =	ssyncset.done $0x0  }
0xd4: {  	[sflag:s30] =	ssyncadd.s32 $0xFFFFD800  }
0xd5: {  	[spmem:s6] =	stream.indirect.scatter.add.f32 [tilespmem:s14], [sflag:$0x3], $0x1, s4, s1, $0xb8;
	[tilespmem:$0x1BA78] =	vst v63  }
0xd6: {  	s17 =	sadd.s32 s24, s28;
	_ =	swait.ge [sflag:s30], $0x50  }
0xd7: {  	s17 =	sshll.u32 s17, $0x6;
	[sflag:s30] =	ssyncset.done $0x0  }
0xd8: {  	s31 =	simm.s32 $0x0;
	s17 =	sadd.s32 s17, s22;
	[sflag:s30] =	ssyncadd.s32 $0xFFFFFFB0  }
0xd9: {  	[tilespmem:s4], [sflag:$0x3] =	stream.linear.gather [hbm4b:s17+s31], $0x180, $0x38;
	[tilespmem:$0x1BA78] =	vst v63  }
0xda: {  	_ =	swait.ge [sflag:s30], $0x180  }
0xdb: {  	[sflag:s30] =	ssyncset.done $0x0  }
0xdc: {  	[sflag:s30] =	ssyncadd.s32 $0xFFFFFE80  }
0xdd: {  	[tilespmem:s29], [sflag:$0x1] =	stream.indirect.gather [hbm4b:s0+s1], $0x80, s7, s1, $0xb8;
	[tilespmem:$0x1BA78] =	vst v63  }
0xde: {  	_ =	swait.ge [sflag:s15], $0x2800  }
0xdf: {  	[sflag:s15] =	ssyncset.done $0x0  }
0xe0: {  	[sflag:s15] =	ssyncadd.s32 $0xFFFFD800  }
0xe1: {  	[tilespmem:s13], [sflag:$0x3] =	stream.indirect.gather [spmem:s5], $0x80, s16, s1, $0xb8;
	[tilespmem:$0x1BA78] =	vst v63  }
0xe2: {  	_ =	swait.ge [sflag:s30], $0x2800  }
0xe3: {  	[sflag:s30] =	ssyncset.done $0x0  }
0xe4: {  	s24 =	simm.s32 $0x0;
	[sflag:s30] =	ssyncadd.s32 $0xFFFFD800  }
0xe5: {  	v9 =	vld [tilespmem:s24+$0x18F78]  }
0xe6: {  	v13 =	vld [tilespmem:s24+$0x18F88]  }
0xe7: {  	v7 =	vld [tilespmem:s24+$0x18F98]  }
0xe8: {  	v6 =	vld [tilespmem:s24+$0x18FA8]  }
0xe9: {  	v5 =	vld [tilespmem:s24+$0x18FB8]  }
0xea: {  	v4 =	vld [tilespmem:s24+$0x18FC8]  }
0xeb: {  	v3 =	vld [tilespmem:s24+$0x18FD8]  }
0xec: {  	v2 =	vld [tilespmem:s24+$0x18FE8]  }
0xed: {  	v14 =	vld [tilespmem:s24+$0x16778]  }
0xee: {  	v15 =	vld [tilespmem:s24+$0x16788]  }
0xef: {  	v12 =	vld [tilespmem:s24+$0x16798]  }
0xf0: {  	v11 =	vld [tilespmem:s24+$0x167A8]  }
0xf1: {  	v10 =	vld [tilespmem:s24+$0x167B8]  }
0xf2: {  	v8 =	vld [tilespmem:s24+$0x167C8];
	v14 =	vmul.f32 v9, v14  }
0xf3: {  	s25 =	simm.s32 $0x200;
	v13 =	vmul.f32 v13, v15;
	v9 =	vld [tilespmem:s24+$0x167D8]  }
.LBB2_7:
0xf4: {  	s17 =	sshra.s32 s25, $0x2;
	p1 =	sne.s32 s25, $0x9E00;
	[tilespmem:s24+$0x16778] =	vst v14;
	v7 =	vmul.f32 v7, v12;
	v12 =	vld [tilespmem:s24+$0x167E8]  }
0xf5: {  	v14 =	vld [tilespmem:s17+$0x18F78];
	[tilespmem:s24+$0x16788] =	vst v13;
	v6 =	vmul.f32 v6, v11  }
0xf6: {  	v13 =	vld [tilespmem:s17+$0x18F88];
	[tilespmem:s24+$0x16798] =	vst v7;
	v5 =	vmul.f32 v5, v10  }
0xf7: {  	v7 =	vld [tilespmem:s17+$0x18F98];
	[tilespmem:s24+$0x167A8] =	vst v6;
	v4 =	vmul.f32 v4, v8  }
0xf8: {  	v6 =	vld [tilespmem:s17+$0x18FA8];
	[tilespmem:s24+$0x167B8] =	vst v5;
	v3 =	vmul.f32 v3, v9  }
0xf9: {  	v5 =	vld [tilespmem:s17+$0x18FB8];
	[tilespmem:s24+$0x167C8] =	vst v4;
	v2 =	vmul.f32 v2, v12  }
0xfa: {  	v4 =	vld [tilespmem:s17+$0x18FC8];
	[tilespmem:s24+$0x167D8] =	vst v3  }
0xfb: {  	v3 =	vld [tilespmem:s17+$0x18FD8];
	[tilespmem:s24+$0x167E8] =	vst v2;
	s24 =	smov.u32 s17  }
0xfc: {  	v2 =	vld [tilespmem:s24+$0x18FE8]  }
0xfd: {  	v8 =	vld [tilespmem:s24+$0x16778]  }
0xfe: {  	v9 =	vld [tilespmem:s24+$0x16788]  }
.Ltmp2:
0xff: {  	v12 =	vld [tilespmem:s24+$0x16798];
	(pc) =	sbr.rel @p1 .LBB2_7-.Ltmp2, $4  }
0x100: {  	v11 =	vld [tilespmem:s24+$0x167A8]  }
0x101: {  	v10 =	vld [tilespmem:s24+$0x167B8]  }
0x102: {  	v14 =	vmul.f32 v14, v8;
	v8 =	vld [tilespmem:s24+$0x167C8]  }
0x103: {  	s25 =	sadd.s32 $0x200, s25;
	v13 =	vmul.f32 v13, v9;
	v9 =	vld [tilespmem:s24+$0x167D8]  }
0x104: {  	[tilespmem:s24+$0x16778] =	vst v14;
	v7 =	vmul.f32 v7, v12;
	v63 =	vld [tilespmem:s24+$0x167E8]  }
0x105: {  	[tilespmem:s24+$0x16788] =	vst v13;
	v6 =	vmul.f32 v6, v11  }
0x106: {  	[tilespmem:s24+$0x16798] =	vst v7;
	v5 =	vmul.f32 v5, v10  }
0x107: {  	[tilespmem:s24+$0x167A8] =	vst v6;
	v4 =	vmul.f32 v4, v8  }
0x108: {  	[tilespmem:s24+$0x167B8] =	vst v5;
	v3 =	vmul.f32 v3, v9  }
0x109: {  	[tilespmem:s24+$0x167C8] =	vst v4;
	v2 =	vmul.f32 v2, v63  }
0x10a: {  	[tilespmem:s24+$0x167D8] =	vst v3  }
0x10b: {  	[tilespmem:s24+$0x167E8] =	vst v2  }
0x10c: {  	[spmem:s2] =	stream.indirect.scatter.add.f32 [tilespmem:s10], [sflag:$0x3], $0x80, s3, s1, $0xb8;
	[tilespmem:$0x1BA78] =	vst v63  }
0x10d: {  	s23 =	sadd.s32 $0x1, s23;
	_ =	swait.ge [sflag:s30], $0x2800  }
0x10e: {  	p1 =	sne.s32 s23, $0x3E;
	[sflag:s30] =	ssyncset.done $0x0  }
.Ltmp3:
0x10f: {  	[sflag:s30] =	ssyncadd.s32 $0xFFFFD800;
	(pc) =	sbr.rel @p1 .LBB2_4-.Ltmp3, $4  }
0x110: {  	[spmem:s6] =	stream.indirect.scatter.add.f32 [tilespmem:s14], [sflag:$0x3], $0x1, s3, s1, $0xb8;
	[tilespmem:$0x1BA78] =	vst v63  }
0x111: {  	_ =	swait.ge [sflag:s30], $0x50  }
0x112: {  	[sflag:s30] =	ssyncset.done $0x0  }
0x113: {  	[sflag:s30] =	ssyncadd.s32 $0xFFFFFFB0  }
0x114: {  	_ =	swait.ge [sflag:s11], $0x2800  }
0x115: {  	[sflag:s11] =	ssyncset.done $0x0  }
0x116: {  	[sflag:s11] =	ssyncadd.s32 $0xFFFFD800  }
0x117: {  	[tilespmem:s13], [sflag:$0x3] =	stream.indirect.gather [spmem:s5], $0x80, s12, s1, $0xb8;
	[tilespmem:$0x1BA78] =	vst v63  }
0x118: {  	_ =	swait.ge [sflag:s30], $0x2800  }
0x119: {  	[sflag:s30] =	ssyncset.done $0x0  }
0x11a: {  	s21 =	simm.s32 $0x0;
	[sflag:s30] =	ssyncadd.s32 $0xFFFFD800  }
0x11b: {  	v9 =	vld [tilespmem:s21+$0x18F78]  }
0x11c: {  	v13 =	vld [tilespmem:s21+$0x18F88]  }
0x11d: {  	v7 =	vld [tilespmem:s21+$0x18F98]  }
0x11e: {  	v6 =	vld [tilespmem:s21+$0x18FA8]  }
0x11f: {  	v5 =	vld [tilespmem:s21+$0x18FB8]  }
0x120: {  	v4 =	vld [tilespmem:s21+$0x18FC8]  }
0x121: {  	v3 =	vld [tilespmem:s21+$0x18FD8]  }
0x122: {  	v2 =	vld [tilespmem:s21+$0x18FE8]  }
0x123: {  	v14 =	vld [tilespmem:s21+$0x13F78]  }
0x124: {  	v15 =	vld [tilespmem:s21+$0x13F88]  }
0x125: {  	v12 =	vld [tilespmem:s21+$0x13F98]  }
0x126: {  	v11 =	vld [tilespmem:s21+$0x13FA8]  }
0x127: {  	v10 =	vld [tilespmem:s21+$0x13FB8]  }
0x128: {  	v8 =	vld [tilespmem:s21+$0x13FC8];
	v14 =	vmul.f32 v9, v14  }
0x129: {  	s23 =	simm.s32 $0x200;
	v13 =	vmul.f32 v13, v15;
	v9 =	vld [tilespmem:s21+$0x13FD8]  }
.LBB2_10:
0x12a: {  	s17 =	sshra.s32 s23, $0x2;
	p1 =	sne.s32 s23, $0x9E00;
	[tilespmem:s21+$0x13F78] =	vst v14;
	v7 =	vmul.f32 v7, v12;
	v12 =	vld [tilespmem:s21+$0x13FE8]  }
0x12b: {  	v14 =	vld [tilespmem:s17+$0x18F78];
	[tilespmem:s21+$0x13F88] =	vst v13;
	v6 =	vmul.f32 v6, v11  }
0x12c: {  	v13 =	vld [tilespmem:s17+$0x18F88];
	[tilespmem:s21+$0x13F98] =	vst v7;
	v5 =	vmul.f32 v5, v10  }
0x12d: {  	v7 =	vld [tilespmem:s17+$0x18F98];
	[tilespmem:s21+$0x13FA8] =	vst v6;
	v4 =	vmul.f32 v4, v8  }
0x12e: {  	v6 =	vld [tilespmem:s17+$0x18FA8];
	[tilespmem:s21+$0x13FB8] =	vst v5;
	v3 =	vmul.f32 v3, v9  }
0x12f: {  	v5 =	vld [tilespmem:s17+$0x18FB8];
	[tilespmem:s21+$0x13FC8] =	vst v4;
	v2 =	vmul.f32 v2, v12  }
0x130: {  	v4 =	vld [tilespmem:s17+$0x18FC8];
	[tilespmem:s21+$0x13FD8] =	vst v3  }
0x131: {  	v3 =	vld [tilespmem:s17+$0x18FD8];
	[tilespmem:s21+$0x13FE8] =	vst v2;
	s21 =	smov.u32 s17  }
0x132: {  	v2 =	vld [tilespmem:s21+$0x18FE8]  }
0x133: {  	v8 =	vld [tilespmem:s21+$0x13F78]  }
0x134: {  	v9 =	vld [tilespmem:s21+$0x13F88]  }
.Ltmp4:
0x135: {  	v12 =	vld [tilespmem:s21+$0x13F98];
	(pc) =	sbr.rel @p1 .LBB2_10-.Ltmp4, $4  }
0x136: {  	v11 =	vld [tilespmem:s21+$0x13FA8]  }
0x137: {  	v10 =	vld [tilespmem:s21+$0x13FB8]  }
0x138: {  	v14 =	vmul.f32 v14, v8;
	v8 =	vld [tilespmem:s21+$0x13FC8]  }
0x139: {  	s23 =	sadd.s32 $0x200, s23;
	v13 =	vmul.f32 v13, v9;
	v9 =	vld [tilespmem:s21+$0x13FD8]  }
0x13a: {  	[tilespmem:s21+$0x13F78] =	vst v14;
	v7 =	vmul.f32 v7, v12;
	v63 =	vld [tilespmem:s21+$0x13FE8]  }
0x13b: {  	[tilespmem:s21+$0x13F88] =	vst v13;
	v6 =	vmul.f32 v6, v11  }
0x13c: {  	[tilespmem:s21+$0x13F98] =	vst v7;
	v5 =	vmul.f32 v5, v10  }
0x13d: {  	[tilespmem:s21+$0x13FA8] =	vst v6;
	v4 =	vmul.f32 v4, v8  }
0x13e: {  	[tilespmem:s21+$0x13FB8] =	vst v5;
	v3 =	vmul.f32 v3, v9  }
0x13f: {  	[tilespmem:s21+$0x13FC8] =	vst v4;
	v2 =	vmul.f32 v2, v63  }
0x140: {  	[tilespmem:s21+$0x13FD8] =	vst v3  }
0x141: {  	[tilespmem:s21+$0x13FE8] =	vst v2  }
0x142: {  	[spmem:s2] =	stream.indirect.scatter.add.f32 [tilespmem:s29], [sflag:$0x3], $0x80, s4, s1, $0xb8;
	[tilespmem:$0x1BA78] =	vst v63  }
0x143: {  	_ =	swait.ge [sflag:s30], $0x2800  }
0x144: {  	[sflag:s30] =	ssyncset.done $0x0  }
0x145: {  	[sflag:s30] =	ssyncadd.s32 $0xFFFFD800  }
0x146: {  	[spmem:s6] =	stream.indirect.scatter.add.f32 [tilespmem:s14], [sflag:$0x3], $0x1, s4, s1, $0xb8;
	[tilespmem:$0x1BA78] =	vst v63  }
0x147: {  	_ =	swait.ge [sflag:s30], $0x50  }
0x148: {  	[sflag:s30] =	ssyncset.done $0x0  }
0x149: {  	[sflag:s30] =	ssyncadd.s32 $0xFFFFFFB0  }
0x14a: {  	s17 =	stileid.u32;
	[bflag:$0x0] =	sbarrier.arrive $0xFFFF  }
0x14b: {  	s17 =	sshll.u32 s17, $0x6;
	s26 =	rddreg [dreg:$0x15]  }
0x14c: {  	s17 =	sor.u32 $0x1C03, s17;
	s23 =	rddreg [dreg:$0xe];
	s21 =	sshrl.u32 s26, $0x3  }
0x14d: {  	[hbm:s23], [sflag:s17] =	dma.local [spmem:s21], $0x2700  }
0x14e: {  	_ =	swait.ge [sflag:s30], $0x2700  }
0x14f: {  	[sflag:s30] =	ssyncset.done $0x0  }
0x150: {  	s21 =	simm.s32 $0x1B7F8;
	[sflag:s30] =	ssyncadd.s32 $0xFFFFD900  }
0x151: {  	[tilespmem:s21], [sflag:$0x3] =	stream.linear.gather [spmem:s19], $0x270, $0x38;
	[tilespmem:$0x1BA78] =	vst v63  }
0x152: {  	_ =	swait.ge [sflag:s30], $0x270  }
0x153: {  	s24 =	smov.u32 s19;
	[sflag:s30] =	ssyncset.done $0x0  }
0x154: {  	s19 =	simm.s32 $0x0;
	s25 =	rddreg [dreg:$0x10];
	[sflag:s30] =	ssyncadd.s32 $0xFFFFFD90  }
0x155: {  	[hbm4b:s25+s19] =	stream.linear.scatter [tilespmem:s21], [sflag:$0x3], $0x270, $0x38;
	[tilespmem:$0x1BA78] =	vst v63  }
0x156: {  	_ =	swait.ge [sflag:s30], $0x270  }
0x157: {  	[sflag:s30] =	ssyncset.done $0x0  }
0x158: {  	s21 =	sshrl.u32 @!p0 s8, $0x3;
	s19 =	rddreg [dreg:$0x12];
	[sflag:s30] =	ssyncadd.s32 $0xFFFFFD90  }
0x159: {  	[hbm:s19], [sflag:s17] =	dma.local @!p0 [spmem:s21], $0x100  }
0x15a: {  	s17 =	simm.s32 @!p0 $0x3  }
0x15b: {  	_ =	swait.ge @!p0 [sflag:s17], $0x100  }
0x15c: {  	[sflag:s17] =	ssyncset.done @!p0 $0x0  }
0x15d: {  	s21 =	simm.s32 @!p0 $0x1B7F8;
	s31 =	rddreg [dreg:$0x16];
	[sflag:s17] =	ssyncadd.s32 @!p0 $0xFFFFFF00  }
0x15e: {  	[tilespmem:s21], [sflag:$0x3] =	stream.linear.gather @!p0 [spmem:s31], $0x10, $0x38;
	[tilespmem:$0x1BA78] =	vst v63  }
0x15f: {  	_ =	swait.ge @!p0 [sflag:s17], $0x10  }
0x160: {  	[sflag:s17] =	ssyncset.done @!p0 $0x0  }
0x161: {  	s23 =	simm.s32 @!p0 $0x0;
	s19 =	rddreg [dreg:$0x13];
	[sflag:s17] =	ssyncadd.s32 @!p0 $0xFFFFFFF0  }
0x162: {  	[hbm4b:s19+s23] =	stream.linear.scatter @!p0 [tilespmem:s21], [sflag:$0x3], $0x10, $0x38;
	[tilespmem:$0x1BA78] =	vst v63  }
0x163: {  	_ =	swait.ge @!p0 [sflag:s17], $0x10  }
0x164: {  	s18 =	sadd.s32 $0x1, s18;
	s23 =	rddreg [dreg:$0x14]  }
0x165: {  	p1 =	sne.s32 s18, s23  }
.Ltmp5:
0x166: {  	_ = 	snop;
	(pc) =	sbr.rel @p1 .LBB2_1-.Ltmp5, $3  }
0x167: {  	_ =	sdelay $0x1  }
0x168: {  	[sflag:s17] =	ssyncset.done @!p0 $0x0  }
0x169: {  	s26 =	simm.s32 $0x1B7F8;
	s25 =	smov.u32 s8;
	[sflag:s17] =	ssyncadd.s32 @!p0 $0xFFFFFFF0  }
0x16a: {  	_ =	sfence.sel $0x180000  }
0x16b: {  	[bflag:$0x0] =	sbarrier.arrive $0xFFFF  }
0x16c: {  	_ =	strace $0x90000047  }
0x16d: {  	[bflag:$0x2] =	sbarrier.arrive $0xFFFF  }
0x16e: {  	s0 =	rddreg [dreg:$0x7]  }
0x16f: {  	s0 =	sadd.s32 @!p0 $0x100000, s0  }
0x170: {  	[sflag:s0] =	ssyncadd.tile.s32 @!p0 $0x1;
	_ =	shalt  }
.Lfunc_end2:
_tile_overlayer_lowered:
.L_overlay_start_2:
0x171: {  	(tag) =	ssettag $0x2  }
0x172: {  	s0 =	rddreg [dreg:$0x0];
	s2 =	stileid.u32  }
0x173: {  	s1 =	rddreg [dreg:$0x1];
	p0 =	sne.s32 s2, $0x0  }
0x174: {  	s3 =	rddreg [dreg:$0x2];
	[bflag:$0x3] =	sbarrier.arrive $0xFFFF;
	s2 =	simm.s32 @!p0 $0x1C03  }
0x175: {  	[timem:s3], [sflag:s2] =	dma.local @!p0 [hbm:s0], s1  }
0x176: {  	s0 =	simm.s32 @!p0 $0x3  }
0x177: {  	_ =	swait.ge @!p0 [sflag:s0], s1  }
0x178: {  	s1 =	ssub.s32 @!p0 $0x0, s1;
	[sflag:s0] =	ssyncset.done @!p0 $0x0  }
0x179: {  	[sflag:s0] =	ssyncadd.s32 @!p0 s1  }
0x17a: {  	[bflag:$0x3] =	sbarrier.arrive $0xFFFF  }
0x17b: {  	_ =	shalt  }

</sc_bundles>
